<compile_context>
chip_gen: v7x
topology: tpu7x:2x2x1
jax: 0.10.2.dev20260603
libtpu: 0.0.44.dev20260713+nightly
codegen_flags: <defaults>
</compile_context>

<pallas_src>
import jax
import jax.numpy as jnp
from jax import lax
from jax.experimental import pallas as pl
from jax.experimental.pallas import tpu as pltpu
from jax.experimental.pallas import tpu_sc as plsc

IN_DIM = 256
HIDDEN = 1024
TABLE_ROWS = 1000
BATCH = 16384

NC, NS = 2, 16
NW = NC * NS
B_PER_W = BATCH // NW
CHUNK = 32
N_CHUNKS = B_PER_W // CHUNK
NBUF = 3
LOOKAHEAD = 1


def _mlp_body(emb_ref, w1_ref, b1_ref, w2_ref, b2_ref, out_ref):
    h = jnp.dot(emb_ref[...], w1_ref[...], preferred_element_type=jnp.float32)
    h = h + b1_ref[...]
    h = h * jax.nn.sigmoid(h)
    o = jnp.dot(h, w2_ref[...], preferred_element_type=jnp.float32)
    o = o + b2_ref[...]
    out_ref[...] = o * jax.nn.sigmoid(o)


def _sc_gather_body(table_hbm, idx_hbm, out_hbm, idx_v, rows_v,
                    g0, g1, g2, w0, w1, w2):
    gs = [g0, g1, g2]
    ws = [w0, w1, w2]
    wid = lax.axis_index("s") * NC + lax.axis_index("c")
    base = wid * B_PER_W
    pltpu.sync_copy(idx_hbm.at[wid], idx_v)
    g = [pltpu.async_copy(table_hbm.at[idx_v.at[b]], rows_v.at[b], gs[b])
         for b in range(NBUF)]
    w = [None] * NBUF
    for j in range(N_CHUNKS):
        b = j % NBUF
        g[b].wait()
        w[b] = pltpu.async_copy(rows_v.at[b],
                                out_hbm.at[pl.ds(base + j * CHUNK, CHUNK)],
                                ws[b])
        k = j + 1 + LOOKAHEAD
        if NBUF <= k < N_CHUNKS:
            bb = k % NBUF
            w[bb].wait()
            g[bb] = pltpu.async_copy(table_hbm.at[idx_v.at[k]],
                                     rows_v.at[bb], gs[bb])
    for b in range(NBUF):
        w[b].wait()


def kernel(diffusion_step, embedding, W1, b1, W2, b2):
    table = pl.pallas_call(
        _mlp_body,
        out_shape=jax.ShapeDtypeStruct((TABLE_ROWS, HIDDEN), jnp.float32),
    )(embedding, W1, b1.reshape(1, HIDDEN), W2, b2.reshape(1, HIDDEN))

    idx = diffusion_step.astype(jnp.int32).reshape(NW, N_CHUNKS, CHUNK)
    out = pl.kernel(
        _sc_gather_body,
        out_type=jax.ShapeDtypeStruct((BATCH, HIDDEN), jnp.float32),
        mesh=plsc.VectorSubcoreMesh(core_axis_name="c", subcore_axis_name="s"),
        scratch_types=(
            [pltpu.VMEM((N_CHUNKS, CHUNK), jnp.int32),
             pltpu.VMEM((NBUF, CHUNK, HIDDEN), jnp.float32)]
            + [pltpu.SemaphoreType.DMA] * (2 * NBUF)
        ),
    )(table, idx)
    return out

# --- scband reference (transcript-rebuilt; emitter-appended) ---
"""Pipeline reference for scband-diffusion-embedding-45088566673991 (READ-ONLY COPY).

The authoritative reference and input builder live on the scoring server;
editing this copy changes nothing except your own understanding.
"""

import jax, jax.numpy as jnp
import numpy as np

DIFF_EMBED_SIZE = 128
DIFF_HIDDEN_SIZE = 1024
MAX_STEPS = 1000
BATCH = 16384

def _build_embedding(diff_embed_size, max_steps):
    steps = jnp.arange(max_steps, dtype=jnp.float32)[:, None]
    dims = jnp.arange(diff_embed_size, dtype=jnp.float32)[None, :]
    table = steps * 10.0 ** (dims * 4.0 / 63.0)
    table = jnp.concatenate([jnp.sin(table), jnp.cos(table)], axis=1)
    return table

def setup_inputs(seed: int = 0) -> dict:
    key = jax.random.key(seed)
    k1, k2, k3, k4, k5 = jax.random.split(key, 5)
    diffusion_step = jax.random.randint(k1, (BATCH,), 0, MAX_STEPS, dtype=jnp.int64 if jax.config.read('jax_enable_x64') else jnp.int32)
    in_dim = 2 * DIFF_EMBED_SIZE
    bound1 = 1.0 / np.sqrt(in_dim)
    W1 = jax.random.uniform(k2, (in_dim, DIFF_HIDDEN_SIZE), minval=-bound1, maxval=bound1, dtype=jnp.float32)
    b1 = jax.random.uniform(k3, (DIFF_HIDDEN_SIZE,), minval=-bound1, maxval=bound1, dtype=jnp.float32)
    bound2 = 1.0 / np.sqrt(DIFF_HIDDEN_SIZE)
    W2 = jax.random.uniform(k4, (DIFF_HIDDEN_SIZE, DIFF_HIDDEN_SIZE), minval=-bound2, maxval=bound2, dtype=jnp.float32)
    b2 = jax.random.uniform(k5, (DIFF_HIDDEN_SIZE,), minval=-bound2, maxval=bound2, dtype=jnp.float32)
    embedding = _build_embedding(DIFF_EMBED_SIZE, MAX_STEPS)
    return {"diffusion_step": diffusion_step, "embedding": embedding, "W1": W1, "b1": b1, "W2": W2, "b2": b2}

def _silu(x):
    return x * jax.nn.sigmoid(x)

def reference(diffusion_step, embedding, W1, b1, W2, b2):
    # integer path: direct gather from the precomputed sinusoidal table
    x = jnp.take(embedding, diffusion_step, axis=0)
    x = _silu(x @ W1 + b1)
    x = _silu(x @ W2 + b2)
    return x

if __name__ == "__main__":
    import jax
    _d = setup_inputs()
    print(jax.jit(kernel)(*tuple(_d.values())))

</pallas_src>

<mosaic_0001>
#map = affine_map<(d0, d1) -> (0, 0)>
#map1 = affine_map<(d0, d1) -> (0, 0, 0)>
module attributes {stable_mosaic.version = 14 : i64} {
  func.func @_sc_gather_body(%arg0: i32, %arg1: i32, %arg2: memref<1000x1024xf32, #tpu.memory_space<hbm>>, %arg3: memref<32x16x32xi32, #tpu.memory_space<hbm>>, %arg4: memref<16384x1024xf32, #tpu.memory_space<hbm>>, %arg5: memref<16x32xi32, #tpu.memory_space<vmem>>, %arg6: memref<3x32x1024xf32, #tpu.memory_space<vmem>>, %arg7: memref<!tpu.dma_semaphore, #tpu.memory_space<semaphore_mem>>, %arg8: memref<!tpu.dma_semaphore, #tpu.memory_space<semaphore_mem>>, %arg9: memref<!tpu.dma_semaphore, #tpu.memory_space<semaphore_mem>>, %arg10: memref<!tpu.dma_semaphore, #tpu.memory_space<semaphore_mem>>, %arg11: memref<!tpu.dma_semaphore, #tpu.memory_space<semaphore_mem>>, %arg12: memref<!tpu.dma_semaphore, #tpu.memory_space<semaphore_mem>>) attributes {dimension_semantics = [#tpu.dimension_semantics<core_parallel>, #tpu.dimension_semantics<subcore_parallel>], iteration_bounds = array<i64: 2, 16>, scalar_prefetch = 0 : i64, scratch_operands = 8 : i64, tpu.core_type = #tpu.core_type<sc_vector_subcore>, window_params = [{transform_indices = #map}, {transform_indices = #map1}, {transform_indices = #map}]} {
    %mul3A = arith.constant 2 : i32
    %mul3A_0 = arith.muli %arg1, %mul3A : i32
    %add3A = arith.addi %mul3A_0, %arg0 : i32
    %mul3A_1 = arith.constant 512 : i32
    %mul3A_2 = arith.muli %add3A, %mul3A_1 : i32
    "tpu.region"() ({
      %run_scoped3A = tpu.sem_alloc : memref<!tpu.dma_semaphore, #tpu.memory_space<semaphore_mem>>
      %dma_start3A_833 = arith.constant 0 : i32
      %dma_start3A_834 = arith.constant 0 : i32
      %dma_start3A_835 = tpu.memref_slice %arg3[%add3A, %dma_start3A_833, %dma_start3A_834] : memref<32x16x32xi32, #tpu.memory_space<hbm>> -> memref<1x16x32xi32, #tpu.memory_space<hbm>>
      %dma_start3A_836 = tpu.memref_squeeze %dma_start3A_835 : memref<1x16x32xi32, #tpu.memory_space<hbm>> -> memref<16x32xi32, #tpu.memory_space<hbm>>
      %dma_start3A_837 = arith.constant 0 : i32
      %dma_start3A_838 = arith.constant 0 : i32
      %dma_start3A_839 = tpu.memref_slice %arg3[%add3A, %dma_start3A_837, %dma_start3A_838] : memref<32x16x32xi32, #tpu.memory_space<hbm>> -> memref<1x16x32xi32, #tpu.memory_space<hbm>>
      %dma_start3A_840 = tpu.memref_squeeze %dma_start3A_839 : memref<1x16x32xi32, #tpu.memory_space<hbm>> -> memref<16x32xi32, #tpu.memory_space<hbm>>
      tpu.enqueue_dma source(%dma_start3A_840 : memref<16x32xi32, #tpu.memory_space<hbm>>) target(%arg5 : memref<16x32xi32, #tpu.memory_space<vmem>>) target_semaphore(%run_scoped3A : memref<!tpu.dma_semaphore, #tpu.memory_space<semaphore_mem>>)
      %dma_wait3A_841 = arith.constant 0 : i32
      %dma_wait3A_842 = arith.constant 0 : i32
      %dma_wait3A_843 = tpu.memref_slice %arg3[%add3A, %dma_wait3A_841, %dma_wait3A_842] : memref<32x16x32xi32, #tpu.memory_space<hbm>> -> memref<1x16x32xi32, #tpu.memory_space<hbm>>
      %dma_wait3A_844 = tpu.memref_squeeze %dma_wait3A_843 : memref<1x16x32xi32, #tpu.memory_space<hbm>> -> memref<16x32xi32, #tpu.memory_space<hbm>>
      %dma_wait3A_845 = arith.constant 0 : i32
      %dma_wait3A_846 = arith.constant 0 : i32
      %dma_wait3A_847 = tpu.memref_slice %arg3[%add3A, %dma_wait3A_845, %dma_wait3A_846] : memref<32x16x32xi32, #tpu.memory_space<hbm>> -> memref<1x16x32xi32, #tpu.memory_space<hbm>>
      %dma_wait3A_848 = tpu.memref_squeeze %dma_wait3A_847 : memref<1x16x32xi32, #tpu.memory_space<hbm>> -> memref<16x32xi32, #tpu.memory_space<hbm>>
      tpu.wait_dma2 semaphore(%run_scoped3A : memref<!tpu.dma_semaphore, #tpu.memory_space<semaphore_mem>>) src(%dma_wait3A_848 : memref<16x32xi32, #tpu.memory_space<hbm>>) dst(%arg5 : memref<16x32xi32, #tpu.memory_space<vmem>>)
      tpu.yield
    }) : () -> ()
    %dma_start3A = arith.constant 0 : i32
    %dma_start3A_3 = arith.constant 0 : i32
    %dma_start3A_4 = arith.constant 0 : i32
    %dma_start3A_5 = arith.constant 0 : i32
    %dma_start3A_6 = tpu.memref_slice %arg6[%dma_start3A_3, %dma_start3A_4, %dma_start3A_5] : memref<3x32x1024xf32, #tpu.memory_space<vmem>> -> memref<1x32x1024xf32, #tpu.memory_space<vmem>>
    %dma_start3A_7 = tpu.memref_squeeze %dma_start3A_6 : memref<1x32x1024xf32, #tpu.memory_space<vmem>> -> memref<32x1024xf32, #tpu.memory_space<vmem>>
    %dma_start3A_8 = arith.constant 0 : i32
    %dma_start3A_9 = tpu.memref_slice %arg5[%dma_start3A, %dma_start3A_8] : memref<16x32xi32, #tpu.memory_space<vmem>> -> memref<1x32xi32, #tpu.memory_space<vmem>>
    %dma_start3A_10 = tpu.memref_squeeze %dma_start3A_9 : memref<1x32xi32, #tpu.memory_space<vmem>> -> memref<32xi32, #tpu.memory_space<vmem>>
    %dma_start3A_11 = arith.constant 0 : i32
    %dma_start3A_12 = arith.constant 0 : i32
    %dma_start3A_13 = tpu.memref_slice %arg2[%dma_start3A_11, %dma_start3A_12] : memref<1000x1024xf32, #tpu.memory_space<hbm>> -> memref<1000x1024xf32, #tpu.memory_space<hbm>>
    tpu.enqueue_indirect_dma source(%dma_start3A_13 : memref<1000x1024xf32, #tpu.memory_space<hbm>>) target(%dma_start3A_7 : memref<32x1024xf32, #tpu.memory_space<vmem>>) offsets(%dma_start3A_10 : memref<32xi32, #tpu.memory_space<vmem>>) semaphore(%arg7 : memref<!tpu.dma_semaphore, #tpu.memory_space<semaphore_mem>>)
    %dma_start3A_14 = arith.constant 1 : i32
    %dma_start3A_15 = arith.constant 1 : i32
    %dma_start3A_16 = arith.constant 0 : i32
    %dma_start3A_17 = arith.constant 0 : i32
    %dma_start3A_18 = tpu.memref_slice %arg6[%dma_start3A_15, %dma_start3A_16, %dma_start3A_17] : memref<3x32x1024xf32, #tpu.memory_space<vmem>> -> memref<1x32x1024xf32, #tpu.memory_space<vmem>>
    %dma_start3A_19 = tpu.memref_squeeze %dma_start3A_18 : memref<1x32x1024xf32, #tpu.memory_space<vmem>> -> memref<32x1024xf32, #tpu.memory_space<vmem>>
    %dma_start3A_20 = arith.constant 0 : i32
    %dma_start3A_21 = tpu.memref_slice %arg5[%dma_start3A_14, %dma_start3A_20] : memref<16x32xi32, #tpu.memory_space<vmem>> -> memref<1x32xi32, #tpu.memory_space<vmem>>
    %dma_start3A_22 = tpu.memref_squeeze %dma_start3A_21 : memref<1x32xi32, #tpu.memory_space<vmem>> -> memref<32xi32, #tpu.memory_space<vmem>>
    %dma_start3A_23 = arith.constant 0 : i32
    %dma_start3A_24 = arith.constant 0 : i32
    %dma_start3A_25 = tpu.memref_slice %arg2[%dma_start3A_23, %dma_start3A_24] : memref<1000x1024xf32, #tpu.memory_space<hbm>> -> memref<1000x1024xf32, #tpu.memory_space<hbm>>
    tpu.enqueue_indirect_dma source(%dma_start3A_25 : memref<1000x1024xf32, #tpu.memory_space<hbm>>) target(%dma_start3A_19 : memref<32x1024xf32, #tpu.memory_space<vmem>>) offsets(%dma_start3A_22 : memref<32xi32, #tpu.memory_space<vmem>>) semaphore(%arg8 : memref<!tpu.dma_semaphore, #tpu.memory_space<semaphore_mem>>)
    %dma_start3A_26 = arith.constant 2 : i32
    %dma_start3A_27 = arith.constant 2 : i32
    %dma_start3A_28 = arith.constant 0 : i32
    %dma_start3A_29 = arith.constant 0 : i32
    %dma_start3A_30 = tpu.memref_slice %arg6[%dma_start3A_27, %dma_start3A_28, %dma_start3A_29] : memref<3x32x1024xf32, #tpu.memory_space<vmem>> -> memref<1x32x1024xf32, #tpu.memory_space<vmem>>
    %dma_start3A_31 = tpu.memref_squeeze %dma_start3A_30 : memref<1x32x1024xf32, #tpu.memory_space<vmem>> -> memref<32x1024xf32, #tpu.memory_space<vmem>>
    %dma_start3A_32 = arith.constant 0 : i32
    %dma_start3A_33 = tpu.memref_slice %arg5[%dma_start3A_26, %dma_start3A_32] : memref<16x32xi32, #tpu.memory_space<vmem>> -> memref<1x32xi32, #tpu.memory_space<vmem>>
    %dma_start3A_34 = tpu.memref_squeeze %dma_start3A_33 : memref<1x32xi32, #tpu.memory_space<vmem>> -> memref<32xi32, #tpu.memory_space<vmem>>
    %dma_start3A_35 = arith.constant 0 : i32
    %dma_start3A_36 = arith.constant 0 : i32
    %dma_start3A_37 = tpu.memref_slice %arg2[%dma_start3A_35, %dma_start3A_36] : memref<1000x1024xf32, #tpu.memory_space<hbm>> -> memref<1000x1024xf32, #tpu.memory_space<hbm>>
    tpu.enqueue_indirect_dma source(%dma_start3A_37 : memref<1000x1024xf32, #tpu.memory_space<hbm>>) target(%dma_start3A_31 : memref<32x1024xf32, #tpu.memory_space<vmem>>) offsets(%dma_start3A_34 : memref<32xi32, #tpu.memory_space<vmem>>) semaphore(%arg9 : memref<!tpu.dma_semaphore, #tpu.memory_space<semaphore_mem>>)
    %dma_wait3A = arith.constant 0 : i32
    %dma_wait3A_38 = arith.constant 0 : i32
    %dma_wait3A_39 = arith.constant 0 : i32
    %dma_wait3A_40 = arith.constant 0 : i32
    %dma_wait3A_41 = tpu.memref_slice %arg6[%dma_wait3A_38, %dma_wait3A_39, %dma_wait3A_40] : memref<3x32x1024xf32, #tpu.memory_space<vmem>> -> memref<1x32x1024xf32, #tpu.memory_space<vmem>>
    %dma_wait3A_42 = tpu.memref_squeeze %dma_wait3A_41 : memref<1x32x1024xf32, #tpu.memory_space<vmem>> -> memref<32x1024xf32, #tpu.memory_space<vmem>>
    %dma_wait3A_43 = arith.constant 0 : i32
    %dma_wait3A_44 = tpu.memref_slice %arg5[%dma_wait3A, %dma_wait3A_43] : memref<16x32xi32, #tpu.memory_space<vmem>> -> memref<1x32xi32, #tpu.memory_space<vmem>>
    %dma_wait3A_45 = tpu.memref_squeeze %dma_wait3A_44 : memref<1x32xi32, #tpu.memory_space<vmem>> -> memref<32xi32, #tpu.memory_space<vmem>>
    %dma_wait3A_46 = arith.constant 0 : i32
    %dma_wait3A_47 = arith.constant 0 : i32
    %dma_wait3A_48 = tpu.memref_slice %arg2[%dma_wait3A_46, %dma_wait3A_47] : memref<1000x1024xf32, #tpu.memory_space<hbm>> -> memref<1000x1024xf32, #tpu.memory_space<hbm>>
    tpu.wait_indirect_dma semaphore(%arg7 : memref<!tpu.dma_semaphore, #tpu.memory_space<semaphore_mem>>) src(%dma_wait3A_48 : memref<1000x1024xf32, #tpu.memory_space<hbm>>) dst(%dma_wait3A_42 : memref<32x1024xf32, #tpu.memory_space<vmem>>)
    %add3A_49 = arith.constant 0 : i32
    %add3A_50 = arith.addi %mul3A_2, %add3A_49 : i32
    %dma_start3A_51 = arith.constant 0 : i32
    %dma_start3A_52 = arith.constant 0 : i32
    %dma_start3A_53 = arith.constant 0 : i32
    %dma_start3A_54 = tpu.memref_slice %arg6[%dma_start3A_51, %dma_start3A_52, %dma_start3A_53] : memref<3x32x1024xf32, #tpu.memory_space<vmem>> -> memref<1x32x1024xf32, #tpu.memory_space<vmem>>
    %dma_start3A_55 = tpu.memref_squeeze %dma_start3A_54 : memref<1x32x1024xf32, #tpu.memory_space<vmem>> -> memref<32x1024xf32, #tpu.memory_space<vmem>>
    %dma_start3A_56 = arith.constant 0 : i32
    %dma_start3A_57 = tpu.memref_slice %arg4[%add3A_50, %dma_start3A_56] : memref<16384x1024xf32, #tpu.memory_space<hbm>> -> memref<32x1024xf32, #tpu.memory_space<hbm>>
    %dma_start3A_58 = arith.constant 0 : i32
    %dma_start3A_59 = tpu.memref_slice %arg4[%add3A_50, %dma_start3A_58] : memref<16384x1024xf32, #tpu.memory_space<hbm>> -> memref<32x1024xf32, #tpu.memory_space<hbm>>
    %dma_start3A_60 = arith.constant 0 : i32
    %dma_start3A_61 = arith.constant 0 : i32
    %dma_start3A_62 = tpu.memref_slice %arg6[%dma_start3A_51, %dma_start3A_60, %dma_start3A_61] : memref<3x32x1024xf32, #tpu.memory_space<vmem>> -> memref<1x32x1024xf32, #tpu.memory_space<vmem>>
    %dma_start3A_63 = tpu.memref_squeeze %dma_start3A_62 : memref<1x32x1024xf32, #tpu.memory_space<vmem>> -> memref<32x1024xf32, #tpu.memory_space<vmem>>
    tpu.enqueue_dma source(%dma_start3A_63 : memref<32x1024xf32, #tpu.memory_space<vmem>>) target(%dma_start3A_59 : memref<32x1024xf32, #tpu.memory_space<hbm>>) target_semaphore(%arg10 : memref<!tpu.dma_semaphore, #tpu.memory_space<semaphore_mem>>)
    %dma_wait3A_64 = arith.constant 1 : i32
    %dma_wait3A_65 = arith.constant 1 : i32
    %dma_wait3A_66 = arith.constant 0 : i32
    %dma_wait3A_67 = arith.constant 0 : i32
    %dma_wait3A_68 = tpu.memref_slice %arg6[%dma_wait3A_65, %dma_wait3A_66, %dma_wait3A_67] : memref<3x32x1024xf32, #tpu.memory_space<vmem>> -> memref<1x32x1024xf32, #tpu.memory_space<vmem>>
    %dma_wait3A_69 = tpu.memref_squeeze %dma_wait3A_68 : memref<1x32x1024xf32, #tpu.memory_space<vmem>> -> memref<32x1024xf32, #tpu.memory_space<vmem>>
    %dma_wait3A_70 = arith.constant 0 : i32
    %dma_wait3A_71 = tpu.memref_slice %arg5[%dma_wait3A_64, %dma_wait3A_70] : memref<16x32xi32, #tpu.memory_space<vmem>> -> memref<1x32xi32, #tpu.memory_space<vmem>>
    %dma_wait3A_72 = tpu.memref_squeeze %dma_wait3A_71 : memref<1x32xi32, #tpu.memory_space<vmem>> -> memref<32xi32, #tpu.memory_space<vmem>>
    %dma_wait3A_73 = arith.constant 0 : i32
    %dma_wait3A_74 = arith.constant 0 : i32
    %dma_wait3A_75 = tpu.memref_slice %arg2[%dma_wait3A_73, %dma_wait3A_74] : memref<1000x1024xf32, #tpu.memory_space<hbm>> -> memref<1000x1024xf32, #tpu.memory_space<hbm>>
    tpu.wait_indirect_dma semaphore(%arg8 : memref<!tpu.dma_semaphore, #tpu.memory_space<semaphore_mem>>) src(%dma_wait3A_75 : memref<1000x1024xf32, #tpu.memory_space<hbm>>) dst(%dma_wait3A_69 : memref<32x1024xf32, #tpu.memory_space<vmem>>)
    %add3A_76 = arith.constant 32 : i32
    %add3A_77 = arith.addi %mul3A_2, %add3A_76 : i32
    %dma_start3A_78 = arith.constant 1 : i32
    %dma_start3A_79 = arith.constant 0 : i32
    %dma_start3A_80 = arith.constant 0 : i32
    %dma_start3A_81 = tpu.memref_slice %arg6[%dma_start3A_78, %dma_start3A_79, %dma_start3A_80] : memref<3x32x1024xf32, #tpu.memory_space<vmem>> -> memref<1x32x1024xf32, #tpu.memory_space<vmem>>
    %dma_start3A_82 = tpu.memref_squeeze %dma_start3A_81 : memref<1x32x1024xf32, #tpu.memory_space<vmem>> -> memref<32x1024xf32, #tpu.memory_space<vmem>>
    %dma_start3A_83 = arith.constant 0 : i32
    %dma_start3A_84 = tpu.memref_slice %arg4[%add3A_77, %dma_start3A_83] : memref<16384x1024xf32, #tpu.memory_space<hbm>> -> memref<32x1024xf32, #tpu.memory_space<hbm>>
    %dma_start3A_85 = arith.constant 0 : i32
    %dma_start3A_86 = tpu.memref_slice %arg4[%add3A_77, %dma_start3A_85] : memref<16384x1024xf32, #tpu.memory_space<hbm>> -> memref<32x1024xf32, #tpu.memory_space<hbm>>
    %dma_start3A_87 = arith.constant 0 : i32
    %dma_start3A_88 = arith.constant 0 : i32
    %dma_start3A_89 = tpu.memref_slice %arg6[%dma_start3A_78, %dma_start3A_87, %dma_start3A_88] : memref<3x32x1024xf32, #tpu.memory_space<vmem>> -> memref<1x32x1024xf32, #tpu.memory_space<vmem>>
    %dma_start3A_90 = tpu.memref_squeeze %dma_start3A_89 : memref<1x32x1024xf32, #tpu.memory_space<vmem>> -> memref<32x1024xf32, #tpu.memory_space<vmem>>
    tpu.enqueue_dma source(%dma_start3A_90 : memref<32x1024xf32, #tpu.memory_space<vmem>>) target(%dma_start3A_86 : memref<32x1024xf32, #tpu.memory_space<hbm>>) target_semaphore(%arg11 : memref<!tpu.dma_semaphore, #tpu.memory_space<semaphore_mem>>)
    %dma_wait3A_91 = arith.constant 0 : i32
    %dma_wait3A_92 = arith.constant 0 : i32
    %dma_wait3A_93 = arith.constant 0 : i32
    %dma_wait3A_94 = tpu.memref_slice %arg6[%dma_wait3A_91, %dma_wait3A_92, %dma_wait3A_93] : memref<3x32x1024xf32, #tpu.memory_space<vmem>> -> memref<1x32x1024xf32, #tpu.memory_space<vmem>>
    %dma_wait3A_95 = tpu.memref_squeeze %dma_wait3A_94 : memref<1x32x1024xf32, #tpu.memory_space<vmem>> -> memref<32x1024xf32, #tpu.memory_space<vmem>>
    %dma_wait3A_96 = arith.constant 0 : i32
    %dma_wait3A_97 = tpu.memref_slice %arg4[%add3A_50, %dma_wait3A_96] : memref<16384x1024xf32, #tpu.memory_space<hbm>> -> memref<32x1024xf32, #tpu.memory_space<hbm>>
    %dma_wait3A_98 = arith.constant 0 : i32
    %dma_wait3A_99 = tpu.memref_slice %arg4[%add3A_50, %dma_wait3A_98] : memref<16384x1024xf32, #tpu.memory_space<hbm>> -> memref<32x1024xf32, #tpu.memory_space<hbm>>
    %dma_wait3A_100 = arith.constant 0 : i32
    %dma_wait3A_101 = arith.constant 0 : i32
    %dma_wait3A_102 = tpu.memref_slice %arg6[%dma_wait3A_91, %dma_wait3A_100, %dma_wait3A_101] : memref<3x32x1024xf32, #tpu.memory_space<vmem>> -> memref<1x32x1024xf32, #tpu.memory_space<vmem>>
    %dma_wait3A_103 = tpu.memref_squeeze %dma_wait3A_102 : memref<1x32x1024xf32, #tpu.memory_space<vmem>> -> memref<32x1024xf32, #tpu.memory_space<vmem>>
    tpu.wait_dma2 semaphore(%arg10 : memref<!tpu.dma_semaphore, #tpu.memory_space<semaphore_mem>>) src(%dma_wait3A_103 : memref<32x1024xf32, #tpu.memory_space<vmem>>) dst(%dma_wait3A_99 : memref<32x1024xf32, #tpu.memory_space<hbm>>)
    %dma_start3A_104 = arith.constant 3 : i32
    %dma_start3A_105 = arith.constant 0 : i32
    %dma_start3A_106 = arith.constant 0 : i32
    %dma_start3A_107 = arith.constant 0 : i32
    %dma_start3A_108 = tpu.memref_slice %arg6[%dma_start3A_105, %dma_start3A_106, %dma_start3A_107] : memref<3x32x1024xf32, #tpu.memory_space<vmem>> -> memref<1x32x1024xf32, #tpu.memory_space<vmem>>
    %dma_start3A_109 = tpu.memref_squeeze %dma_start3A_108 : memref<1x32x1024xf32, #tpu.memory_space<vmem>> -> memref<32x1024xf32, #tpu.memory_space<vmem>>
    %dma_start3A_110 = arith.constant 0 : i32
    %dma_start3A_111 = tpu.memref_slice %arg5[%dma_start3A_104, %dma_start3A_110] : memref<16x32xi32, #tpu.memory_space<vmem>> -> memref<1x32xi32, #tpu.memory_space<vmem>>
    %dma_start3A_112 = tpu.memref_squeeze %dma_start3A_111 : memref<1x32xi32, #tpu.memory_space<vmem>> -> memref<32xi32, #tpu.memory_space<vmem>>
    %dma_start3A_113 = arith.constant 0 : i32
    %dma_start3A_114 = arith.constant 0 : i32
    %dma_start3A_115 = tpu.memref_slice %arg2[%dma_start3A_113, %dma_start3A_114] : memref<1000x1024xf32, #tpu.memory_space<hbm>> -> memref<1000x1024xf32, #tpu.memory_space<hbm>>
    tpu.enqueue_indirect_dma source(%dma_start3A_115 : memref<1000x1024xf32, #tpu.memory_space<hbm>>) target(%dma_start3A_109 : memref<32x1024xf32, #tpu.memory_space<vmem>>) offsets(%dma_start3A_112 : memref<32xi32, #tpu.memory_space<vmem>>) semaphore(%arg7 : memref<!tpu.dma_semaphore, #tpu.memory_space<semaphore_mem>>)
    %dma_wait3A_116 = arith.constant 2 : i32
    %dma_wait3A_117 = arith.constant 2 : i32
    %dma_wait3A_118 = arith.constant 0 : i32
    %dma_wait3A_119 = arith.constant 0 : i32
    %dma_wait3A_120 = tpu.memref_slice %arg6[%dma_wait3A_117, %dma_wait3A_118, %dma_wait3A_119] : memref<3x32x1024xf32, #tpu.memory_space<vmem>> -> memref<1x32x1024xf32, #tpu.memory_space<vmem>>
    %dma_wait3A_121 = tpu.memref_squeeze %dma_wait3A_120 : memref<1x32x1024xf32, #tpu.memory_space<vmem>> -> memref<32x1024xf32, #tpu.memory_space<vmem>>
    %dma_wait3A_122 = arith.constant 0 : i32
    %dma_wait3A_123 = tpu.memref_slice %arg5[%dma_wait3A_116, %dma_wait3A_122] : memref<16x32xi32, #tpu.memory_space<vmem>> -> memref<1x32xi32, #tpu.memory_space<vmem>>
    %dma_wait3A_124 = tpu.memref_squeeze %dma_wait3A_123 : memref<1x32xi32, #tpu.memory_space<vmem>> -> memref<32xi32, #tpu.memory_space<vmem>>
    %dma_wait3A_125 = arith.constant 0 : i32
    %dma_wait3A_126 = arith.constant 0 : i32
    %dma_wait3A_127 = tpu.memref_slice %arg2[%dma_wait3A_125, %dma_wait3A_126] : memref<1000x1024xf32, #tpu.memory_space<hbm>> -> memref<1000x1024xf32, #tpu.memory_space<hbm>>
    tpu.wait_indirect_dma semaphore(%arg9 : memref<!tpu.dma_semaphore, #tpu.memory_space<semaphore_mem>>) src(%dma_wait3A_127 : memref<1000x1024xf32, #tpu.memory_space<hbm>>) dst(%dma_wait3A_121 : memref<32x1024xf32, #tpu.memory_space<vmem>>)
    %add3A_128 = arith.constant 64 : i32
    %add3A_129 = arith.addi %mul3A_2, %add3A_128 : i32
    %dma_start3A_130 = arith.constant 2 : i32
    %dma_start3A_131 = arith.constant 0 : i32
    %dma_start3A_132 = arith.constant 0 : i32
    %dma_start3A_133 = tpu.memref_slice %arg6[%dma_start3A_130, %dma_start3A_131, %dma_start3A_132] : memref<3x32x1024xf32, #tpu.memory_space<vmem>> -> memref<1x32x1024xf32, #tpu.memory_space<vmem>>
    %dma_start3A_134 = tpu.memref_squeeze %dma_start3A_133 : memref<1x32x1024xf32, #tpu.memory_space<vmem>> -> memref<32x1024xf32, #tpu.memory_space<vmem>>
    %dma_start3A_135 = arith.constant 0 : i32
    %dma_start3A_136 = tpu.memref_slice %arg4[%add3A_129, %dma_start3A_135] : memref<16384x1024xf32, #tpu.memory_space<hbm>> -> memref<32x1024xf32, #tpu.memory_space<hbm>>
    %dma_start3A_137 = arith.constant 0 : i32
    %dma_start3A_138 = tpu.memref_slice %arg4[%add3A_129, %dma_start3A_137] : memref<16384x1024xf32, #tpu.memory_space<hbm>> -> memref<32x1024xf32, #tpu.memory_space<hbm>>
    %dma_start3A_139 = arith.constant 0 : i32
    %dma_start3A_140 = arith.constant 0 : i32
    %dma_start3A_141 = tpu.memref_slice %arg6[%dma_start3A_130, %dma_start3A_139, %dma_start3A_140] : memref<3x32x1024xf32, #tpu.memory_space<vmem>> -> memref<1x32x1024xf32, #tpu.memory_space<vmem>>
    %dma_start3A_142 = tpu.memref_squeeze %dma_start3A_141 : memref<1x32x1024xf32, #tpu.memory_space<vmem>> -> memref<32x1024xf32, #tpu.memory_space<vmem>>
    tpu.enqueue_dma source(%dma_start3A_142 : memref<32x1024xf32, #tpu.memory_space<vmem>>) target(%dma_start3A_138 : memref<32x1024xf32, #tpu.memory_space<hbm>>) target_semaphore(%arg12 : memref<!tpu.dma_semaphore, #tpu.memory_space<semaphore_mem>>)
    %dma_wait3A_143 = arith.constant 1 : i32
    %dma_wait3A_144 = arith.constant 0 : i32
    %dma_wait3A_145 = arith.constant 0 : i32
    %dma_wait3A_146 = tpu.memref_slice %arg6[%dma_wait3A_143, %dma_wait3A_144, %dma_wait3A_145] : memref<3x32x1024xf32, #tpu.memory_space<vmem>> -> memref<1x32x1024xf32, #tpu.memory_space<vmem>>
    %dma_wait3A_147 = tpu.memref_squeeze %dma_wait3A_146 : memref<1x32x1024xf32, #tpu.memory_space<vmem>> -> memref<32x1024xf32, #tpu.memory_space<vmem>>
    %dma_wait3A_148 = arith.constant 0 : i32
    %dma_wait3A_149 = tpu.memref_slice %arg4[%add3A_77, %dma_wait3A_148] : memref<16384x1024xf32, #tpu.memory_space<hbm>> -> memref<32x1024xf32, #tpu.memory_space<hbm>>
    %dma_wait3A_150 = arith.constant 0 : i32
    %dma_wait3A_151 = tpu.memref_slice %arg4[%add3A_77, %dma_wait3A_150] : memref<16384x1024xf32, #tpu.memory_space<hbm>> -> memref<32x1024xf32, #tpu.memory_space<hbm>>
    %dma_wait3A_152 = arith.constant 0 : i32
    %dma_wait3A_153 = arith.constant 0 : i32
    %dma_wait3A_154 = tpu.memref_slice %arg6[%dma_wait3A_143, %dma_wait3A_152, %dma_wait3A_153] : memref<3x32x1024xf32, #tpu.memory_space<vmem>> -> memref<1x32x1024xf32, #tpu.memory_space<vmem>>
    %dma_wait3A_155 = tpu.memref_squeeze %dma_wait3A_154 : memref<1x32x1024xf32, #tpu.memory_space<vmem>> -> memref<32x1024xf32, #tpu.memory_space<vmem>>
    tpu.wait_dma2 semaphore(%arg11 : memref<!tpu.dma_semaphore, #tpu.memory_space<semaphore_mem>>) src(%dma_wait3A_155 : memref<32x1024xf32, #tpu.memory_space<vmem>>) dst(%dma_wait3A_151 : memref<32x1024xf32, #tpu.memory_space<hbm>>)
    %dma_start3A_156 = arith.constant 4 : i32
    %dma_start3A_157 = arith.constant 1 : i32
    %dma_start3A_158 = arith.constant 0 : i32
    %dma_start3A_159 = arith.constant 0 : i32
    %dma_start3A_160 = tpu.memref_slice %arg6[%dma_start3A_157, %dma_start3A_158, %dma_start3A_159] : memref<3x32x1024xf32, #tpu.memory_space<vmem>> -> memref<1x32x1024xf32, #tpu.memory_space<vmem>>
    %dma_start3A_161 = tpu.memref_squeeze %dma_start3A_160 : memref<1x32x1024xf32, #tpu.memory_space<vmem>> -> memref<32x1024xf32, #tpu.memory_space<vmem>>
    %dma_start3A_162 = arith.constant 0 : i32
    %dma_start3A_163 = tpu.memref_slice %arg5[%dma_start3A_156, %dma_start3A_162] : memref<16x32xi32, #tpu.memory_space<vmem>> -> memref<1x32xi32, #tpu.memory_space<vmem>>
    %dma_start3A_164 = tpu.memref_squeeze %dma_start3A_163 : memref<1x32xi32, #tpu.memory_space<vmem>> -> memref<32xi32, #tpu.memory_space<vmem>>
    %dma_start3A_165 = arith.constant 0 : i32
    %dma_start3A_166 = arith.constant 0 : i32
    %dma_start3A_167 = tpu.memref_slice %arg2[%dma_start3A_165, %dma_start3A_166] : memref<1000x1024xf32, #tpu.memory_space<hbm>> -> memref<1000x1024xf32, #tpu.memory_space<hbm>>
    tpu.enqueue_indirect_dma source(%dma_start3A_167 : memref<1000x1024xf32, #tpu.memory_space<hbm>>) target(%dma_start3A_161 : memref<32x1024xf32, #tpu.memory_space<vmem>>) offsets(%dma_start3A_164 : memref<32xi32, #tpu.memory_space<vmem>>) semaphore(%arg8 : memref<!tpu.dma_semaphore, #tpu.memory_space<semaphore_mem>>)
    %dma_wait3A_168 = arith.constant 3 : i32
    %dma_wait3A_169 = arith.constant 0 : i32
    %dma_wait3A_170 = arith.constant 0 : i32
    %dma_wait3A_171 = arith.constant 0 : i32
    %dma_wait3A_172 = tpu.memref_slice %arg6[%dma_wait3A_169, %dma_wait3A_170, %dma_wait3A_171] : memref<3x32x1024xf32, #tpu.memory_space<vmem>> -> memref<1x32x1024xf32, #tpu.memory_space<vmem>>
    %dma_wait3A_173 = tpu.memref_squeeze %dma_wait3A_172 : memref<1x32x1024xf32, #tpu.memory_space<vmem>> -> memref<32x1024xf32, #tpu.memory_space<vmem>>
    %dma_wait3A_174 = arith.constant 0 : i32
    %dma_wait3A_175 = tpu.memref_slice %arg5[%dma_wait3A_168, %dma_wait3A_174] : memref<16x32xi32, #tpu.memory_space<vmem>> -> memref<1x32xi32, #tpu.memory_space<vmem>>
    %dma_wait3A_176 = tpu.memref_squeeze %dma_wait3A_175 : memref<1x32xi32, #tpu.memory_space<vmem>> -> memref<32xi32, #tpu.memory_space<vmem>>
    %dma_wait3A_177 = arith.constant 0 : i32
    %dma_wait3A_178 = arith.constant 0 : i32
    %dma_wait3A_179 = tpu.memref_slice %arg2[%dma_wait3A_177, %dma_wait3A_178] : memref<1000x1024xf32, #tpu.memory_space<hbm>> -> memref<1000x1024xf32, #tpu.memory_space<hbm>>
    tpu.wait_indirect_dma semaphore(%arg7 : memref<!tpu.dma_semaphore, #tpu.memory_space<semaphore_mem>>) src(%dma_wait3A_179 : memref<1000x1024xf32, #tpu.memory_space<hbm>>) dst(%dma_wait3A_173 : memref<32x1024xf32, #tpu.memory_space<vmem>>)
    %add3A_180 = arith.constant 96 : i32
    %add3A_181 = arith.addi %mul3A_2, %add3A_180 : i32
    %dma_start3A_182 = arith.constant 0 : i32
    %dma_start3A_183 = arith.constant 0 : i32
    %dma_start3A_184 = arith.constant 0 : i32
    %dma_start3A_185 = tpu.memref_slice %arg6[%dma_start3A_182, %dma_start3A_183, %dma_start3A_184] : memref<3x32x1024xf32, #tpu.memory_space<vmem>> -> memref<1x32x1024xf32, #tpu.memory_space<vmem>>
    %dma_start3A_186 = tpu.memref_squeeze %dma_start3A_185 : memref<1x32x1024xf32, #tpu.memory_space<vmem>> -> memref<32x1024xf32, #tpu.memory_space<vmem>>
    %dma_start3A_187 = arith.constant 0 : i32
    %dma_start3A_188 = tpu.memref_slice %arg4[%add3A_181, %dma_start3A_187] : memref<16384x1024xf32, #tpu.memory_space<hbm>> -> memref<32x1024xf32, #tpu.memory_space<hbm>>
    %dma_start3A_189 = arith.constant 0 : i32
    %dma_start3A_190 = tpu.memref_slice %arg4[%add3A_181, %dma_start3A_189] : memref<16384x1024xf32, #tpu.memory_space<hbm>> -> memref<32x1024xf32, #tpu.memory_space<hbm>>
    %dma_start3A_191 = arith.constant 0 : i32
    %dma_start3A_192 = arith.constant 0 : i32
    %dma_start3A_193 = tpu.memref_slice %arg6[%dma_start3A_182, %dma_start3A_191, %dma_start3A_192] : memref<3x32x1024xf32, #tpu.memory_space<vmem>> -> memref<1x32x1024xf32, #tpu.memory_space<vmem>>
    %dma_start3A_194 = tpu.memref_squeeze %dma_start3A_193 : memref<1x32x1024xf32, #tpu.memory_space<vmem>> -> memref<32x1024xf32, #tpu.memory_space<vmem>>
    tpu.enqueue_dma source(%dma_start3A_194 : memref<32x1024xf32, #tpu.memory_space<vmem>>) target(%dma_start3A_190 : memref<32x1024xf32, #tpu.memory_space<hbm>>) target_semaphore(%arg10 : memref<!tpu.dma_semaphore, #tpu.memory_space<semaphore_mem>>)
    %dma_wait3A_195 = arith.constant 2 : i32
    %dma_wait3A_196 = arith.constant 0 : i32
    %dma_wait3A_197 = arith.constant 0 : i32
    %dma_wait3A_198 = tpu.memref_slice %arg6[%dma_wait3A_195, %dma_wait3A_196, %dma_wait3A_197] : memref<3x32x1024xf32, #tpu.memory_space<vmem>> -> memref<1x32x1024xf32, #tpu.memory_space<vmem>>
    %dma_wait3A_199 = tpu.memref_squeeze %dma_wait3A_198 : memref<1x32x1024xf32, #tpu.memory_space<vmem>> -> memref<32x1024xf32, #tpu.memory_space<vmem>>
    %dma_wait3A_200 = arith.constant 0 : i32
    %dma_wait3A_201 = tpu.memref_slice %arg4[%add3A_129, %dma_wait3A_200] : memref<16384x1024xf32, #tpu.memory_space<hbm>> -> memref<32x1024xf32, #tpu.memory_space<hbm>>
    %dma_wait3A_202 = arith.constant 0 : i32
    %dma_wait3A_203 = tpu.memref_slice %arg4[%add3A_129, %dma_wait3A_202] : memref<16384x1024xf32, #tpu.memory_space<hbm>> -> memref<32x1024xf32, #tpu.memory_space<hbm>>
    %dma_wait3A_204 = arith.constant 0 : i32
    %dma_wait3A_205 = arith.constant 0 : i32
    %dma_wait3A_206 = tpu.memref_slice %arg6[%dma_wait3A_195, %dma_wait3A_204, %dma_wait3A_205] : memref<3x32x1024xf32, #tpu.memory_space<vmem>> -> memref<1x32x1024xf32, #tpu.memory_space<vmem>>
    %dma_wait3A_207 = tpu.memref_squeeze %dma_wait3A_206 : memref<1x32x1024xf32, #tpu.memory_space<vmem>> -> memref<32x1024xf32, #tpu.memory_space<vmem>>
    tpu.wait_dma2 semaphore(%arg12 : memref<!tpu.dma_semaphore, #tpu.memory_space<semaphore_mem>>) src(%dma_wait3A_207 : memref<32x1024xf32, #tpu.memory_space<vmem>>) dst(%dma_wait3A_203 : memref<32x1024xf32, #tpu.memory_space<hbm>>)
    %dma_start3A_208 = arith.constant 5 : i32
    %dma_start3A_209 = arith.constant 2 : i32
    %dma_start3A_210 = arith.constant 0 : i32
    %dma_start3A_211 = arith.constant 0 : i32
    %dma_start3A_212 = tpu.memref_slice %arg6[%dma_start3A_209, %dma_start3A_210, %dma_start3A_211] : memref<3x32x1024xf32, #tpu.memory_space<vmem>> -> memref<1x32x1024xf32, #tpu.memory_space<vmem>>
    %dma_start3A_213 = tpu.memref_squeeze %dma_start3A_212 : memref<1x32x1024xf32, #tpu.memory_space<vmem>> -> memref<32x1024xf32, #tpu.memory_space<vmem>>
    %dma_start3A_214 = arith.constant 0 : i32
    %dma_start3A_215 = tpu.memref_slice %arg5[%dma_start3A_208, %dma_start3A_214] : memref<16x32xi32, #tpu.memory_space<vmem>> -> memref<1x32xi32, #tpu.memory_space<vmem>>
    %dma_start3A_216 = tpu.memref_squeeze %dma_start3A_215 : memref<1x32xi32, #tpu.memory_space<vmem>> -> memref<32xi32, #tpu.memory_space<vmem>>
    %dma_start3A_217 = arith.constant 0 : i32
    %dma_start3A_218 = arith.constant 0 : i32
    %dma_start3A_219 = tpu.memref_slice %arg2[%dma_start3A_217, %dma_start3A_218] : memref<1000x1024xf32, #tpu.memory_space<hbm>> -> memref<1000x1024xf32, #tpu.memory_space<hbm>>
    tpu.enqueue_indirect_dma source(%dma_start3A_219 : memref<1000x1024xf32, #tpu.memory_space<hbm>>) target(%dma_start3A_213 : memref<32x1024xf32, #tpu.memory_space<vmem>>) offsets(%dma_start3A_216 : memref<32xi32, #tpu.memory_space<vmem>>) semaphore(%arg9 : memref<!tpu.dma_semaphore, #tpu.memory_space<semaphore_mem>>)
    %dma_wait3A_220 = arith.constant 4 : i32
    %dma_wait3A_221 = arith.constant 1 : i32
    %dma_wait3A_222 = arith.constant 0 : i32
    %dma_wait3A_223 = arith.constant 0 : i32
    %dma_wait3A_224 = tpu.memref_slice %arg6[%dma_wait3A_221, %dma_wait3A_222, %dma_wait3A_223] : memref<3x32x1024xf32, #tpu.memory_space<vmem>> -> memref<1x32x1024xf32, #tpu.memory_space<vmem>>
    %dma_wait3A_225 = tpu.memref_squeeze %dma_wait3A_224 : memref<1x32x1024xf32, #tpu.memory_space<vmem>> -> memref<32x1024xf32, #tpu.memory_space<vmem>>
    %dma_wait3A_226 = arith.constant 0 : i32
    %dma_wait3A_227 = tpu.memref_slice %arg5[%dma_wait3A_220, %dma_wait3A_226] : memref<16x32xi32, #tpu.memory_space<vmem>> -> memref<1x32xi32, #tpu.memory_space<vmem>>
    %dma_wait3A_228 = tpu.memref_squeeze %dma_wait3A_227 : memref<1x32xi32, #tpu.memory_space<vmem>> -> memref<32xi32, #tpu.memory_space<vmem>>
    %dma_wait3A_229 = arith.constant 0 : i32
    %dma_wait3A_230 = arith.constant 0 : i32
    %dma_wait3A_231 = tpu.memref_slice %arg2[%dma_wait3A_229, %dma_wait3A_230] : memref<1000x1024xf32, #tpu.memory_space<hbm>> -> memref<1000x1024xf32, #tpu.memory_space<hbm>>
    tpu.wait_indirect_dma semaphore(%arg8 : memref<!tpu.dma_semaphore, #tpu.memory_space<semaphore_mem>>) src(%dma_wait3A_231 : memref<1000x1024xf32, #tpu.memory_space<hbm>>) dst(%dma_wait3A_225 : memref<32x1024xf32, #tpu.memory_space<vmem>>)
    %add3A_232 = arith.constant 128 : i32
    %add3A_233 = arith.addi %mul3A_2, %add3A_232 : i32
    %dma_start3A_234 = arith.constant 1 : i32
    %dma_start3A_235 = arith.constant 0 : i32
    %dma_start3A_236 = arith.constant 0 : i32
    %dma_start3A_237 = tpu.memref_slice %arg6[%dma_start3A_234, %dma_start3A_235, %dma_start3A_236] : memref<3x32x1024xf32, #tpu.memory_space<vmem>> -> memref<1x32x1024xf32, #tpu.memory_space<vmem>>
    %dma_start3A_238 = tpu.memref_squeeze %dma_start3A_237 : memref<1x32x1024xf32, #tpu.memory_space<vmem>> -> memref<32x1024xf32, #tpu.memory_space<vmem>>
    %dma_start3A_239 = arith.constant 0 : i32
    %dma_start3A_240 = tpu.memref_slice %arg4[%add3A_233, %dma_start3A_239] : memref<16384x1024xf32, #tpu.memory_space<hbm>> -> memref<32x1024xf32, #tpu.memory_space<hbm>>
    %dma_start3A_241 = arith.constant 0 : i32
    %dma_start3A_242 = tpu.memref_slice %arg4[%add3A_233, %dma_start3A_241] : memref<16384x1024xf32, #tpu.memory_space<hbm>> -> memref<32x1024xf32, #tpu.memory_space<hbm>>
    %dma_start3A_243 = arith.constant 0 : i32
    %dma_start3A_244 = arith.constant 0 : i32
    %dma_start3A_245 = tpu.memref_slice %arg6[%dma_start3A_234, %dma_start3A_243, %dma_start3A_244] : memref<3x32x1024xf32, #tpu.memory_space<vmem>> -> memref<1x32x1024xf32, #tpu.memory_space<vmem>>
    %dma_start3A_246 = tpu.memref_squeeze %dma_start3A_245 : memref<1x32x1024xf32, #tpu.memory_space<vmem>> -> memref<32x1024xf32, #tpu.memory_space<vmem>>
    tpu.enqueue_dma source(%dma_start3A_246 : memref<32x1024xf32, #tpu.memory_space<vmem>>) target(%dma_start3A_242 : memref<32x1024xf32, #tpu.memory_space<hbm>>) target_semaphore(%arg11 : memref<!tpu.dma_semaphore, #tpu.memory_space<semaphore_mem>>)
    %dma_wait3A_247 = arith.constant 0 : i32
    %dma_wait3A_248 = arith.constant 0 : i32
    %dma_wait3A_249 = arith.constant 0 : i32
    %dma_wait3A_250 = tpu.memref_slice %arg6[%dma_wait3A_247, %dma_wait3A_248, %dma_wait3A_249] : memref<3x32x1024xf32, #tpu.memory_space<vmem>> -> memref<1x32x1024xf32, #tpu.memory_space<vmem>>
    %dma_wait3A_251 = tpu.memref_squeeze %dma_wait3A_250 : memref<1x32x1024xf32, #tpu.memory_space<vmem>> -> memref<32x1024xf32, #tpu.memory_space<vmem>>
    %dma_wait3A_252 = arith.constant 0 : i32
    %dma_wait3A_253 = tpu.memref_slice %arg4[%add3A_181, %dma_wait3A_252] : memref<16384x1024xf32, #tpu.memory_space<hbm>> -> memref<32x1024xf32, #tpu.memory_space<hbm>>
    %dma_wait3A_254 = arith.constant 0 : i32
    %dma_wait3A_255 = tpu.memref_slice %arg4[%add3A_181, %dma_wait3A_254] : memref<16384x1024xf32, #tpu.memory_space<hbm>> -> memref<32x1024xf32, #tpu.memory_space<hbm>>
    %dma_wait3A_256 = arith.constant 0 : i32
    %dma_wait3A_257 = arith.constant 0 : i32
    %dma_wait3A_258 = tpu.memref_slice %arg6[%dma_wait3A_247, %dma_wait3A_256, %dma_wait3A_257] : memref<3x32x1024xf32, #tpu.memory_space<vmem>> -> memref<1x32x1024xf32, #tpu.memory_space<vmem>>
    %dma_wait3A_259 = tpu.memref_squeeze %dma_wait3A_258 : memref<1x32x1024xf32, #tpu.memory_space<vmem>> -> memref<32x1024xf32, #tpu.memory_space<vmem>>
    tpu.wait_dma2 semaphore(%arg10 : memref<!tpu.dma_semaphore, #tpu.memory_space<semaphore_mem>>) src(%dma_wait3A_259 : memref<32x1024xf32, #tpu.memory_space<vmem>>) dst(%dma_wait3A_255 : memref<32x1024xf32, #tpu.memory_space<hbm>>)
    %dma_start3A_260 = arith.constant 6 : i32
    %dma_start3A_261 = arith.constant 0 : i32
    %dma_start3A_262 = arith.constant 0 : i32
    %dma_start3A_263 = arith.constant 0 : i32
    %dma_start3A_264 = tpu.memref_slice %arg6[%dma_start3A_261, %dma_start3A_262, %dma_start3A_263] : memref<3x32x1024xf32, #tpu.memory_space<vmem>> -> memref<1x32x1024xf32, #tpu.memory_space<vmem>>
    %dma_start3A_265 = tpu.memref_squeeze %dma_start3A_264 : memref<1x32x1024xf32, #tpu.memory_space<vmem>> -> memref<32x1024xf32, #tpu.memory_space<vmem>>
    %dma_start3A_266 = arith.constant 0 : i32
    %dma_start3A_267 = tpu.memref_slice %arg5[%dma_start3A_260, %dma_start3A_266] : memref<16x32xi32, #tpu.memory_space<vmem>> -> memref<1x32xi32, #tpu.memory_space<vmem>>
    %dma_start3A_268 = tpu.memref_squeeze %dma_start3A_267 : memref<1x32xi32, #tpu.memory_space<vmem>> -> memref<32xi32, #tpu.memory_space<vmem>>
    %dma_start3A_269 = arith.constant 0 : i32
    %dma_start3A_270 = arith.constant 0 : i32
    %dma_start3A_271 = tpu.memref_slice %arg2[%dma_start3A_269, %dma_start3A_270] : memref<1000x1024xf32, #tpu.memory_space<hbm>> -> memref<1000x1024xf32, #tpu.memory_space<hbm>>
    tpu.enqueue_indirect_dma source(%dma_start3A_271 : memref<1000x1024xf32, #tpu.memory_space<hbm>>) target(%dma_start3A_265 : memref<32x1024xf32, #tpu.memory_space<vmem>>) offsets(%dma_start3A_268 : memref<32xi32, #tpu.memory_space<vmem>>) semaphore(%arg7 : memref<!tpu.dma_semaphore, #tpu.memory_space<semaphore_mem>>)
    %dma_wait3A_272 = arith.constant 5 : i32
    %dma_wait3A_273 = arith.constant 2 : i32
    %dma_wait3A_274 = arith.constant 0 : i32
    %dma_wait3A_275 = arith.constant 0 : i32
    %dma_wait3A_276 = tpu.memref_slice %arg6[%dma_wait3A_273, %dma_wait3A_274, %dma_wait3A_275] : memref<3x32x1024xf32, #tpu.memory_space<vmem>> -> memref<1x32x1024xf32, #tpu.memory_space<vmem>>
    %dma_wait3A_277 = tpu.memref_squeeze %dma_wait3A_276 : memref<1x32x1024xf32, #tpu.memory_space<vmem>> -> memref<32x1024xf32, #tpu.memory_space<vmem>>
    %dma_wait3A_278 = arith.constant 0 : i32
    %dma_wait3A_279 = tpu.memref_slice %arg5[%dma_wait3A_272, %dma_wait3A_278] : memref<16x32xi32, #tpu.memory_space<vmem>> -> memref<1x32xi32, #tpu.memory_space<vmem>>
    %dma_wait3A_280 = tpu.memref_squeeze %dma_wait3A_279 : memref<1x32xi32, #tpu.memory_space<vmem>> -> memref<32xi32, #tpu.memory_space<vmem>>
    %dma_wait3A_281 = arith.constant 0 : i32
    %dma_wait3A_282 = arith.constant 0 : i32
    %dma_wait3A_283 = tpu.memref_slice %arg2[%dma_wait3A_281, %dma_wait3A_282] : memref<1000x1024xf32, #tpu.memory_space<hbm>> -> memref<1000x1024xf32, #tpu.memory_space<hbm>>
    tpu.wait_indirect_dma semaphore(%arg9 : memref<!tpu.dma_semaphore, #tpu.memory_space<semaphore_mem>>) src(%dma_wait3A_283 : memref<1000x1024xf32, #tpu.memory_space<hbm>>) dst(%dma_wait3A_277 : memref<32x1024xf32, #tpu.memory_space<vmem>>)
    %add3A_284 = arith.constant 160 : i32
    %add3A_285 = arith.addi %mul3A_2, %add3A_284 : i32
    %dma_start3A_286 = arith.constant 2 : i32
    %dma_start3A_287 = arith.constant 0 : i32
    %dma_start3A_288 = arith.constant 0 : i32
    %dma_start3A_289 = tpu.memref_slice %arg6[%dma_start3A_286, %dma_start3A_287, %dma_start3A_288] : memref<3x32x1024xf32, #tpu.memory_space<vmem>> -> memref<1x32x1024xf32, #tpu.memory_space<vmem>>
    %dma_start3A_290 = tpu.memref_squeeze %dma_start3A_289 : memref<1x32x1024xf32, #tpu.memory_space<vmem>> -> memref<32x1024xf32, #tpu.memory_space<vmem>>
    %dma_start3A_291 = arith.constant 0 : i32
    %dma_start3A_292 = tpu.memref_slice %arg4[%add3A_285, %dma_start3A_291] : memref<16384x1024xf32, #tpu.memory_space<hbm>> -> memref<32x1024xf32, #tpu.memory_space<hbm>>
    %dma_start3A_293 = arith.constant 0 : i32
    %dma_start3A_294 = tpu.memref_slice %arg4[%add3A_285, %dma_start3A_293] : memref<16384x1024xf32, #tpu.memory_space<hbm>> -> memref<32x1024xf32, #tpu.memory_space<hbm>>
    %dma_start3A_295 = arith.constant 0 : i32
    %dma_start3A_296 = arith.constant 0 : i32
    %dma_start3A_297 = tpu.memref_slice %arg6[%dma_start3A_286, %dma_start3A_295, %dma_start3A_296] : memref<3x32x1024xf32, #tpu.memory_space<vmem>> -> memref<1x32x1024xf32, #tpu.memory_space<vmem>>
    %dma_start3A_298 = tpu.memref_squeeze %dma_start3A_297 : memref<1x32x1024xf32, #tpu.memory_space<vmem>> -> memref<32x1024xf32, #tpu.memory_space<vmem>>
    tpu.enqueue_dma source(%dma_start3A_298 : memref<32x1024xf32, #tpu.memory_space<vmem>>) target(%dma_start3A_294 : memref<32x1024xf32, #tpu.memory_space<hbm>>) target_semaphore(%arg12 : memref<!tpu.dma_semaphore, #tpu.memory_space<semaphore_mem>>)
    %dma_wait3A_299 = arith.constant 1 : i32
    %dma_wait3A_300 = arith.constant 0 : i32
    %dma_wait3A_301 = arith.constant 0 : i32
    %dma_wait3A_302 = tpu.memref_slice %arg6[%dma_wait3A_299, %dma_wait3A_300, %dma_wait3A_301] : memref<3x32x1024xf32, #tpu.memory_space<vmem>> -> memref<1x32x1024xf32, #tpu.memory_space<vmem>>
    %dma_wait3A_303 = tpu.memref_squeeze %dma_wait3A_302 : memref<1x32x1024xf32, #tpu.memory_space<vmem>> -> memref<32x1024xf32, #tpu.memory_space<vmem>>
    %dma_wait3A_304 = arith.constant 0 : i32
    %dma_wait3A_305 = tpu.memref_slice %arg4[%add3A_233, %dma_wait3A_304] : memref<16384x1024xf32, #tpu.memory_space<hbm>> -> memref<32x1024xf32, #tpu.memory_space<hbm>>
    %dma_wait3A_306 = arith.constant 0 : i32
    %dma_wait3A_307 = tpu.memref_slice %arg4[%add3A_233, %dma_wait3A_306] : memref<16384x1024xf32, #tpu.memory_space<hbm>> -> memref<32x1024xf32, #tpu.memory_space<hbm>>
    %dma_wait3A_308 = arith.constant 0 : i32
    %dma_wait3A_309 = arith.constant 0 : i32
    %dma_wait3A_310 = tpu.memref_slice %arg6[%dma_wait3A_299, %dma_wait3A_308, %dma_wait3A_309] : memref<3x32x1024xf32, #tpu.memory_space<vmem>> -> memref<1x32x1024xf32, #tpu.memory_space<vmem>>
    %dma_wait3A_311 = tpu.memref_squeeze %dma_wait3A_310 : memref<1x32x1024xf32, #tpu.memory_space<vmem>> -> memref<32x1024xf32, #tpu.memory_space<vmem>>
    tpu.wait_dma2 semaphore(%arg11 : memref<!tpu.dma_semaphore, #tpu.memory_space<semaphore_mem>>) src(%dma_wait3A_311 : memref<32x1024xf32, #tpu.memory_space<vmem>>) dst(%dma_wait3A_307 : memref<32x1024xf32, #tpu.memory_space<hbm>>)
    %dma_start3A_312 = arith.constant 7 : i32
    %dma_start3A_313 = arith.constant 1 : i32
    %dma_start3A_314 = arith.constant 0 : i32
    %dma_start3A_315 = arith.constant 0 : i32
    %dma_start3A_316 = tpu.memref_slice %arg6[%dma_start3A_313, %dma_start3A_314, %dma_start3A_315] : memref<3x32x1024xf32, #tpu.memory_space<vmem>> -> memref<1x32x1024xf32, #tpu.memory_space<vmem>>
    %dma_start3A_317 = tpu.memref_squeeze %dma_start3A_316 : memref<1x32x1024xf32, #tpu.memory_space<vmem>> -> memref<32x1024xf32, #tpu.memory_space<vmem>>
    %dma_start3A_318 = arith.constant 0 : i32
    %dma_start3A_319 = tpu.memref_slice %arg5[%dma_start3A_312, %dma_start3A_318] : memref<16x32xi32, #tpu.memory_space<vmem>> -> memref<1x32xi32, #tpu.memory_space<vmem>>
    %dma_start3A_320 = tpu.memref_squeeze %dma_start3A_319 : memref<1x32xi32, #tpu.memory_space<vmem>> -> memref<32xi32, #tpu.memory_space<vmem>>
    %dma_start3A_321 = arith.constant 0 : i32
    %dma_start3A_322 = arith.constant 0 : i32
    %dma_start3A_323 = tpu.memref_slice %arg2[%dma_start3A_321, %dma_start3A_322] : memref<1000x1024xf32, #tpu.memory_space<hbm>> -> memref<1000x1024xf32, #tpu.memory_space<hbm>>
    tpu.enqueue_indirect_dma source(%dma_start3A_323 : memref<1000x1024xf32, #tpu.memory_space<hbm>>) target(%dma_start3A_317 : memref<32x1024xf32, #tpu.memory_space<vmem>>) offsets(%dma_start3A_320 : memref<32xi32, #tpu.memory_space<vmem>>) semaphore(%arg8 : memref<!tpu.dma_semaphore, #tpu.memory_space<semaphore_mem>>)
    %dma_wait3A_324 = arith.constant 6 : i32
    %dma_wait3A_325 = arith.constant 0 : i32
    %dma_wait3A_326 = arith.constant 0 : i32
    %dma_wait3A_327 = arith.constant 0 : i32
    %dma_wait3A_328 = tpu.memref_slice %arg6[%dma_wait3A_325, %dma_wait3A_326, %dma_wait3A_327] : memref<3x32x1024xf32, #tpu.memory_space<vmem>> -> memref<1x32x1024xf32, #tpu.memory_space<vmem>>
    %dma_wait3A_329 = tpu.memref_squeeze %dma_wait3A_328 : memref<1x32x1024xf32, #tpu.memory_space<vmem>> -> memref<32x1024xf32, #tpu.memory_space<vmem>>
    %dma_wait3A_330 = arith.constant 0 : i32
    %dma_wait3A_331 = tpu.memref_slice %arg5[%dma_wait3A_324, %dma_wait3A_330] : memref<16x32xi32, #tpu.memory_space<vmem>> -> memref<1x32xi32, #tpu.memory_space<vmem>>
    %dma_wait3A_332 = tpu.memref_squeeze %dma_wait3A_331 : memref<1x32xi32, #tpu.memory_space<vmem>> -> memref<32xi32, #tpu.memory_space<vmem>>
    %dma_wait3A_333 = arith.constant 0 : i32
    %dma_wait3A_334 = arith.constant 0 : i32
    %dma_wait3A_335 = tpu.memref_slice %arg2[%dma_wait3A_333, %dma_wait3A_334] : memref<1000x1024xf32, #tpu.memory_space<hbm>> -> memref<1000x1024xf32, #tpu.memory_space<hbm>>
    tpu.wait_indirect_dma semaphore(%arg7 : memref<!tpu.dma_semaphore, #tpu.memory_space<semaphore_mem>>) src(%dma_wait3A_335 : memref<1000x1024xf32, #tpu.memory_space<hbm>>) dst(%dma_wait3A_329 : memref<32x1024xf32, #tpu.memory_space<vmem>>)
    %add3A_336 = arith.constant 192 : i32
    %add3A_337 = arith.addi %mul3A_2, %add3A_336 : i32
    %dma_start3A_338 = arith.constant 0 : i32
    %dma_start3A_339 = arith.constant 0 : i32
    %dma_start3A_340 = arith.constant 0 : i32
    %dma_start3A_341 = tpu.memref_slice %arg6[%dma_start3A_338, %dma_start3A_339, %dma_start3A_340] : memref<3x32x1024xf32, #tpu.memory_space<vmem>> -> memref<1x32x1024xf32, #tpu.memory_space<vmem>>
    %dma_start3A_342 = tpu.memref_squeeze %dma_start3A_341 : memref<1x32x1024xf32, #tpu.memory_space<vmem>> -> memref<32x1024xf32, #tpu.memory_space<vmem>>
    %dma_start3A_343 = arith.constant 0 : i32
    %dma_start3A_344 = tpu.memref_slice %arg4[%add3A_337, %dma_start3A_343] : memref<16384x1024xf32, #tpu.memory_space<hbm>> -> memref<32x1024xf32, #tpu.memory_space<hbm>>
    %dma_start3A_345 = arith.constant 0 : i32
    %dma_start3A_346 = tpu.memref_slice %arg4[%add3A_337, %dma_start3A_345] : memref<16384x1024xf32, #tpu.memory_space<hbm>> -> memref<32x1024xf32, #tpu.memory_space<hbm>>
    %dma_start3A_347 = arith.constant 0 : i32
    %dma_start3A_348 = arith.constant 0 : i32
    %dma_start3A_349 = tpu.memref_slice %arg6[%dma_start3A_338, %dma_start3A_347, %dma_start3A_348] : memref<3x32x1024xf32, #tpu.memory_space<vmem>> -> memref<1x32x1024xf32, #tpu.memory_space<vmem>>
    %dma_start3A_350 = tpu.memref_squeeze %dma_start3A_349 : memref<1x32x1024xf32, #tpu.memory_space<vmem>> -> memref<32x1024xf32, #tpu.memory_space<vmem>>
    tpu.enqueue_dma source(%dma_start3A_350 : memref<32x1024xf32, #tpu.memory_space<vmem>>) target(%dma_start3A_346 : memref<32x1024xf32, #tpu.memory_space<hbm>>) target_semaphore(%arg10 : memref<!tpu.dma_semaphore, #tpu.memory_space<semaphore_mem>>)
    %dma_wait3A_351 = arith.constant 2 : i32
    %dma_wait3A_352 = arith.constant 0 : i32
    %dma_wait3A_353 = arith.constant 0 : i32
    %dma_wait3A_354 = tpu.memref_slice %arg6[%dma_wait3A_351, %dma_wait3A_352, %dma_wait3A_353] : memref<3x32x1024xf32, #tpu.memory_space<vmem>> -> memref<1x32x1024xf32, #tpu.memory_space<vmem>>
    %dma_wait3A_355 = tpu.memref_squeeze %dma_wait3A_354 : memref<1x32x1024xf32, #tpu.memory_space<vmem>> -> memref<32x1024xf32, #tpu.memory_space<vmem>>
    %dma_wait3A_356 = arith.constant 0 : i32
    %dma_wait3A_357 = tpu.memref_slice %arg4[%add3A_285, %dma_wait3A_356] : memref<16384x1024xf32, #tpu.memory_space<hbm>> -> memref<32x1024xf32, #tpu.memory_space<hbm>>
    %dma_wait3A_358 = arith.constant 0 : i32
    %dma_wait3A_359 = tpu.memref_slice %arg4[%add3A_285, %dma_wait3A_358] : memref<16384x1024xf32, #tpu.memory_space<hbm>> -> memref<32x1024xf32, #tpu.memory_space<hbm>>
    %dma_wait3A_360 = arith.constant 0 : i32
    %dma_wait3A_361 = arith.constant 0 : i32
    %dma_wait3A_362 = tpu.memref_slice %arg6[%dma_wait3A_351, %dma_wait3A_360, %dma_wait3A_361] : memref<3x32x1024xf32, #tpu.memory_space<vmem>> -> memref<1x32x1024xf32, #tpu.memory_space<vmem>>
    %dma_wait3A_363 = tpu.memref_squeeze %dma_wait3A_362 : memref<1x32x1024xf32, #tpu.memory_space<vmem>> -> memref<32x1024xf32, #tpu.memory_space<vmem>>
    tpu.wait_dma2 semaphore(%arg12 : memref<!tpu.dma_semaphore, #tpu.memory_space<semaphore_mem>>) src(%dma_wait3A_363 : memref<32x1024xf32, #tpu.memory_space<vmem>>) dst(%dma_wait3A_359 : memref<32x1024xf32, #tpu.memory_space<hbm>>)
    %dma_start3A_364 = arith.constant 8 : i32
    %dma_start3A_365 = arith.constant 2 : i32
    %dma_start3A_366 = arith.constant 0 : i32
    %dma_start3A_367 = arith.constant 0 : i32
    %dma_start3A_368 = tpu.memref_slice %arg6[%dma_start3A_365, %dma_start3A_366, %dma_start3A_367] : memref<3x32x1024xf32, #tpu.memory_space<vmem>> -> memref<1x32x1024xf32, #tpu.memory_space<vmem>>
    %dma_start3A_369 = tpu.memref_squeeze %dma_start3A_368 : memref<1x32x1024xf32, #tpu.memory_space<vmem>> -> memref<32x1024xf32, #tpu.memory_space<vmem>>
    %dma_start3A_370 = arith.constant 0 : i32
    %dma_start3A_371 = tpu.memref_slice %arg5[%dma_start3A_364, %dma_start3A_370] : memref<16x32xi32, #tpu.memory_space<vmem>> -> memref<1x32xi32, #tpu.memory_space<vmem>>
    %dma_start3A_372 = tpu.memref_squeeze %dma_start3A_371 : memref<1x32xi32, #tpu.memory_space<vmem>> -> memref<32xi32, #tpu.memory_space<vmem>>
    %dma_start3A_373 = arith.constant 0 : i32
    %dma_start3A_374 = arith.constant 0 : i32
    %dma_start3A_375 = tpu.memref_slice %arg2[%dma_start3A_373, %dma_start3A_374] : memref<1000x1024xf32, #tpu.memory_space<hbm>> -> memref<1000x1024xf32, #tpu.memory_space<hbm>>
    tpu.enqueue_indirect_dma source(%dma_start3A_375 : memref<1000x1024xf32, #tpu.memory_space<hbm>>) target(%dma_start3A_369 : memref<32x1024xf32, #tpu.memory_space<vmem>>) offsets(%dma_start3A_372 : memref<32xi32, #tpu.memory_space<vmem>>) semaphore(%arg9 : memref<!tpu.dma_semaphore, #tpu.memory_space<semaphore_mem>>)
    %dma_wait3A_376 = arith.constant 7 : i32
    %dma_wait3A_377 = arith.constant 1 : i32
    %dma_wait3A_378 = arith.constant 0 : i32
    %dma_wait3A_379 = arith.constant 0 : i32
    %dma_wait3A_380 = tpu.memref_slice %arg6[%dma_wait3A_377, %dma_wait3A_378, %dma_wait3A_379] : memref<3x32x1024xf32, #tpu.memory_space<vmem>> -> memref<1x32x1024xf32, #tpu.memory_space<vmem>>
    %dma_wait3A_381 = tpu.memref_squeeze %dma_wait3A_380 : memref<1x32x1024xf32, #tpu.memory_space<vmem>> -> memref<32x1024xf32, #tpu.memory_space<vmem>>
    %dma_wait3A_382 = arith.constant 0 : i32
    %dma_wait3A_383 = tpu.memref_slice %arg5[%dma_wait3A_376, %dma_wait3A_382] : memref<16x32xi32, #tpu.memory_space<vmem>> -> memref<1x32xi32, #tpu.memory_space<vmem>>
    %dma_wait3A_384 = tpu.memref_squeeze %dma_wait3A_383 : memref<1x32xi32, #tpu.memory_space<vmem>> -> memref<32xi32, #tpu.memory_space<vmem>>
    %dma_wait3A_385 = arith.constant 0 : i32
    %dma_wait3A_386 = arith.constant 0 : i32
    %dma_wait3A_387 = tpu.memref_slice %arg2[%dma_wait3A_385, %dma_wait3A_386] : memref<1000x1024xf32, #tpu.memory_space<hbm>> -> memref<1000x1024xf32, #tpu.memory_space<hbm>>
    tpu.wait_indirect_dma semaphore(%arg8 : memref<!tpu.dma_semaphore, #tpu.memory_space<semaphore_mem>>) src(%dma_wait3A_387 : memref<1000x1024xf32, #tpu.memory_space<hbm>>) dst(%dma_wait3A_381 : memref<32x1024xf32, #tpu.memory_space<vmem>>)
    %add3A_388 = arith.constant 224 : i32
    %add3A_389 = arith.addi %mul3A_2, %add3A_388 : i32
    %dma_start3A_390 = arith.constant 1 : i32
    %dma_start3A_391 = arith.constant 0 : i32
    %dma_start3A_392 = arith.constant 0 : i32
    %dma_start3A_393 = tpu.memref_slice %arg6[%dma_start3A_390, %dma_start3A_391, %dma_start3A_392] : memref<3x32x1024xf32, #tpu.memory_space<vmem>> -> memref<1x32x1024xf32, #tpu.memory_space<vmem>>
    %dma_start3A_394 = tpu.memref_squeeze %dma_start3A_393 : memref<1x32x1024xf32, #tpu.memory_space<vmem>> -> memref<32x1024xf32, #tpu.memory_space<vmem>>
    %dma_start3A_395 = arith.constant 0 : i32
    %dma_start3A_396 = tpu.memref_slice %arg4[%add3A_389, %dma_start3A_395] : memref<16384x1024xf32, #tpu.memory_space<hbm>> -> memref<32x1024xf32, #tpu.memory_space<hbm>>
    %dma_start3A_397 = arith.constant 0 : i32
    %dma_start3A_398 = tpu.memref_slice %arg4[%add3A_389, %dma_start3A_397] : memref<16384x1024xf32, #tpu.memory_space<hbm>> -> memref<32x1024xf32, #tpu.memory_space<hbm>>
    %dma_start3A_399 = arith.constant 0 : i32
    %dma_start3A_400 = arith.constant 0 : i32
    %dma_start3A_401 = tpu.memref_slice %arg6[%dma_start3A_390, %dma_start3A_399, %dma_start3A_400] : memref<3x32x1024xf32, #tpu.memory_space<vmem>> -> memref<1x32x1024xf32, #tpu.memory_space<vmem>>
    %dma_start3A_402 = tpu.memref_squeeze %dma_start3A_401 : memref<1x32x1024xf32, #tpu.memory_space<vmem>> -> memref<32x1024xf32, #tpu.memory_space<vmem>>
    tpu.enqueue_dma source(%dma_start3A_402 : memref<32x1024xf32, #tpu.memory_space<vmem>>) target(%dma_start3A_398 : memref<32x1024xf32, #tpu.memory_space<hbm>>) target_semaphore(%arg11 : memref<!tpu.dma_semaphore, #tpu.memory_space<semaphore_mem>>)
    %dma_wait3A_403 = arith.constant 0 : i32
    %dma_wait3A_404 = arith.constant 0 : i32
    %dma_wait3A_405 = arith.constant 0 : i32
    %dma_wait3A_406 = tpu.memref_slice %arg6[%dma_wait3A_403, %dma_wait3A_404, %dma_wait3A_405] : memref<3x32x1024xf32, #tpu.memory_space<vmem>> -> memref<1x32x1024xf32, #tpu.memory_space<vmem>>
    %dma_wait3A_407 = tpu.memref_squeeze %dma_wait3A_406 : memref<1x32x1024xf32, #tpu.memory_space<vmem>> -> memref<32x1024xf32, #tpu.memory_space<vmem>>
    %dma_wait3A_408 = arith.constant 0 : i32
    %dma_wait3A_409 = tpu.memref_slice %arg4[%add3A_337, %dma_wait3A_408] : memref<16384x1024xf32, #tpu.memory_space<hbm>> -> memref<32x1024xf32, #tpu.memory_space<hbm>>
    %dma_wait3A_410 = arith.constant 0 : i32
    %dma_wait3A_411 = tpu.memref_slice %arg4[%add3A_337, %dma_wait3A_410] : memref<16384x1024xf32, #tpu.memory_space<hbm>> -> memref<32x1024xf32, #tpu.memory_space<hbm>>
    %dma_wait3A_412 = arith.constant 0 : i32
    %dma_wait3A_413 = arith.constant 0 : i32
    %dma_wait3A_414 = tpu.memref_slice %arg6[%dma_wait3A_403, %dma_wait3A_412, %dma_wait3A_413] : memref<3x32x1024xf32, #tpu.memory_space<vmem>> -> memref<1x32x1024xf32, #tpu.memory_space<vmem>>
    %dma_wait3A_415 = tpu.memref_squeeze %dma_wait3A_414 : memref<1x32x1024xf32, #tpu.memory_space<vmem>> -> memref<32x1024xf32, #tpu.memory_space<vmem>>
    tpu.wait_dma2 semaphore(%arg10 : memref<!tpu.dma_semaphore, #tpu.memory_space<semaphore_mem>>) src(%dma_wait3A_415 : memref<32x1024xf32, #tpu.memory_space<vmem>>) dst(%dma_wait3A_411 : memref<32x1024xf32, #tpu.memory_space<hbm>>)
    %dma_start3A_416 = arith.constant 9 : i32
    %dma_start3A_417 = arith.constant 0 : i32
    %dma_start3A_418 = arith.constant 0 : i32
    %dma_start3A_419 = arith.constant 0 : i32
    %dma_start3A_420 = tpu.memref_slice %arg6[%dma_start3A_417, %dma_start3A_418, %dma_start3A_419] : memref<3x32x1024xf32, #tpu.memory_space<vmem>> -> memref<1x32x1024xf32, #tpu.memory_space<vmem>>
    %dma_start3A_421 = tpu.memref_squeeze %dma_start3A_420 : memref<1x32x1024xf32, #tpu.memory_space<vmem>> -> memref<32x1024xf32, #tpu.memory_space<vmem>>
    %dma_start3A_422 = arith.constant 0 : i32
    %dma_start3A_423 = tpu.memref_slice %arg5[%dma_start3A_416, %dma_start3A_422] : memref<16x32xi32, #tpu.memory_space<vmem>> -> memref<1x32xi32, #tpu.memory_space<vmem>>
    %dma_start3A_424 = tpu.memref_squeeze %dma_start3A_423 : memref<1x32xi32, #tpu.memory_space<vmem>> -> memref<32xi32, #tpu.memory_space<vmem>>
    %dma_start3A_425 = arith.constant 0 : i32
    %dma_start3A_426 = arith.constant 0 : i32
    %dma_start3A_427 = tpu.memref_slice %arg2[%dma_start3A_425, %dma_start3A_426] : memref<1000x1024xf32, #tpu.memory_space<hbm>> -> memref<1000x1024xf32, #tpu.memory_space<hbm>>
    tpu.enqueue_indirect_dma source(%dma_start3A_427 : memref<1000x1024xf32, #tpu.memory_space<hbm>>) target(%dma_start3A_421 : memref<32x1024xf32, #tpu.memory_space<vmem>>) offsets(%dma_start3A_424 : memref<32xi32, #tpu.memory_space<vmem>>) semaphore(%arg7 : memref<!tpu.dma_semaphore, #tpu.memory_space<semaphore_mem>>)
    %dma_wait3A_428 = arith.constant 8 : i32
    %dma_wait3A_429 = arith.constant 2 : i32
    %dma_wait3A_430 = arith.constant 0 : i32
    %dma_wait3A_431 = arith.constant 0 : i32
    %dma_wait3A_432 = tpu.memref_slice %arg6[%dma_wait3A_429, %dma_wait3A_430, %dma_wait3A_431] : memref<3x32x1024xf32, #tpu.memory_space<vmem>> -> memref<1x32x1024xf32, #tpu.memory_space<vmem>>
    %dma_wait3A_433 = tpu.memref_squeeze %dma_wait3A_432 : memref<1x32x1024xf32, #tpu.memory_space<vmem>> -> memref<32x1024xf32, #tpu.memory_space<vmem>>
    %dma_wait3A_434 = arith.constant 0 : i32
    %dma_wait3A_435 = tpu.memref_slice %arg5[%dma_wait3A_428, %dma_wait3A_434] : memref<16x32xi32, #tpu.memory_space<vmem>> -> memref<1x32xi32, #tpu.memory_space<vmem>>
    %dma_wait3A_436 = tpu.memref_squeeze %dma_wait3A_435 : memref<1x32xi32, #tpu.memory_space<vmem>> -> memref<32xi32, #tpu.memory_space<vmem>>
    %dma_wait3A_437 = arith.constant 0 : i32
    %dma_wait3A_438 = arith.constant 0 : i32
    %dma_wait3A_439 = tpu.memref_slice %arg2[%dma_wait3A_437, %dma_wait3A_438] : memref<1000x1024xf32, #tpu.memory_space<hbm>> -> memref<1000x1024xf32, #tpu.memory_space<hbm>>
    tpu.wait_indirect_dma semaphore(%arg9 : memref<!tpu.dma_semaphore, #tpu.memory_space<semaphore_mem>>) src(%dma_wait3A_439 : memref<1000x1024xf32, #tpu.memory_space<hbm>>) dst(%dma_wait3A_433 : memref<32x1024xf32, #tpu.memory_space<vmem>>)
    %add3A_440 = arith.constant 256 : i32
    %add3A_441 = arith.addi %mul3A_2, %add3A_440 : i32
    %dma_start3A_442 = arith.constant 2 : i32
    %dma_start3A_443 = arith.constant 0 : i32
    %dma_start3A_444 = arith.constant 0 : i32
    %dma_start3A_445 = tpu.memref_slice %arg6[%dma_start3A_442, %dma_start3A_443, %dma_start3A_444] : memref<3x32x1024xf32, #tpu.memory_space<vmem>> -> memref<1x32x1024xf32, #tpu.memory_space<vmem>>
    %dma_start3A_446 = tpu.memref_squeeze %dma_start3A_445 : memref<1x32x1024xf32, #tpu.memory_space<vmem>> -> memref<32x1024xf32, #tpu.memory_space<vmem>>
    %dma_start3A_447 = arith.constant 0 : i32
    %dma_start3A_448 = tpu.memref_slice %arg4[%add3A_441, %dma_start3A_447] : memref<16384x1024xf32, #tpu.memory_space<hbm>> -> memref<32x1024xf32, #tpu.memory_space<hbm>>
    %dma_start3A_449 = arith.constant 0 : i32
    %dma_start3A_450 = tpu.memref_slice %arg4[%add3A_441, %dma_start3A_449] : memref<16384x1024xf32, #tpu.memory_space<hbm>> -> memref<32x1024xf32, #tpu.memory_space<hbm>>
    %dma_start3A_451 = arith.constant 0 : i32
    %dma_start3A_452 = arith.constant 0 : i32
    %dma_start3A_453 = tpu.memref_slice %arg6[%dma_start3A_442, %dma_start3A_451, %dma_start3A_452] : memref<3x32x1024xf32, #tpu.memory_space<vmem>> -> memref<1x32x1024xf32, #tpu.memory_space<vmem>>
    %dma_start3A_454 = tpu.memref_squeeze %dma_start3A_453 : memref<1x32x1024xf32, #tpu.memory_space<vmem>> -> memref<32x1024xf32, #tpu.memory_space<vmem>>
    tpu.enqueue_dma source(%dma_start3A_454 : memref<32x1024xf32, #tpu.memory_space<vmem>>) target(%dma_start3A_450 : memref<32x1024xf32, #tpu.memory_space<hbm>>) target_semaphore(%arg12 : memref<!tpu.dma_semaphore, #tpu.memory_space<semaphore_mem>>)
    %dma_wait3A_455 = arith.constant 1 : i32
    %dma_wait3A_456 = arith.constant 0 : i32
    %dma_wait3A_457 = arith.constant 0 : i32
    %dma_wait3A_458 = tpu.memref_slice %arg6[%dma_wait3A_455, %dma_wait3A_456, %dma_wait3A_457] : memref<3x32x1024xf32, #tpu.memory_space<vmem>> -> memref<1x32x1024xf32, #tpu.memory_space<vmem>>
    %dma_wait3A_459 = tpu.memref_squeeze %dma_wait3A_458 : memref<1x32x1024xf32, #tpu.memory_space<vmem>> -> memref<32x1024xf32, #tpu.memory_space<vmem>>
    %dma_wait3A_460 = arith.constant 0 : i32
    %dma_wait3A_461 = tpu.memref_slice %arg4[%add3A_389, %dma_wait3A_460] : memref<16384x1024xf32, #tpu.memory_space<hbm>> -> memref<32x1024xf32, #tpu.memory_space<hbm>>
    %dma_wait3A_462 = arith.constant 0 : i32
    %dma_wait3A_463 = tpu.memref_slice %arg4[%add3A_389, %dma_wait3A_462] : memref<16384x1024xf32, #tpu.memory_space<hbm>> -> memref<32x1024xf32, #tpu.memory_space<hbm>>
    %dma_wait3A_464 = arith.constant 0 : i32
    %dma_wait3A_465 = arith.constant 0 : i32
    %dma_wait3A_466 = tpu.memref_slice %arg6[%dma_wait3A_455, %dma_wait3A_464, %dma_wait3A_465] : memref<3x32x1024xf32, #tpu.memory_space<vmem>> -> memref<1x32x1024xf32, #tpu.memory_space<vmem>>
    %dma_wait3A_467 = tpu.memref_squeeze %dma_wait3A_466 : memref<1x32x1024xf32, #tpu.memory_space<vmem>> -> memref<32x1024xf32, #tpu.memory_space<vmem>>
    tpu.wait_dma2 semaphore(%arg11 : memref<!tpu.dma_semaphore, #tpu.memory_space<semaphore_mem>>) src(%dma_wait3A_467 : memref<32x1024xf32, #tpu.memory_space<vmem>>) dst(%dma_wait3A_463 : memref<32x1024xf32, #tpu.memory_space<hbm>>)
    %dma_start3A_468 = arith.constant 10 : i32
    %dma_start3A_469 = arith.constant 1 : i32
    %dma_start3A_470 = arith.constant 0 : i32
    %dma_start3A_471 = arith.constant 0 : i32
    %dma_start3A_472 = tpu.memref_slice %arg6[%dma_start3A_469, %dma_start3A_470, %dma_start3A_471] : memref<3x32x1024xf32, #tpu.memory_space<vmem>> -> memref<1x32x1024xf32, #tpu.memory_space<vmem>>
    %dma_start3A_473 = tpu.memref_squeeze %dma_start3A_472 : memref<1x32x1024xf32, #tpu.memory_space<vmem>> -> memref<32x1024xf32, #tpu.memory_space<vmem>>
    %dma_start3A_474 = arith.constant 0 : i32
    %dma_start3A_475 = tpu.memref_slice %arg5[%dma_start3A_468, %dma_start3A_474] : memref<16x32xi32, #tpu.memory_space<vmem>> -> memref<1x32xi32, #tpu.memory_space<vmem>>
    %dma_start3A_476 = tpu.memref_squeeze %dma_start3A_475 : memref<1x32xi32, #tpu.memory_space<vmem>> -> memref<32xi32, #tpu.memory_space<vmem>>
    %dma_start3A_477 = arith.constant 0 : i32
    %dma_start3A_478 = arith.constant 0 : i32
    %dma_start3A_479 = tpu.memref_slice %arg2[%dma_start3A_477, %dma_start3A_478] : memref<1000x1024xf32, #tpu.memory_space<hbm>> -> memref<1000x1024xf32, #tpu.memory_space<hbm>>
    tpu.enqueue_indirect_dma source(%dma_start3A_479 : memref<1000x1024xf32, #tpu.memory_space<hbm>>) target(%dma_start3A_473 : memref<32x1024xf32, #tpu.memory_space<vmem>>) offsets(%dma_start3A_476 : memref<32xi32, #tpu.memory_space<vmem>>) semaphore(%arg8 : memref<!tpu.dma_semaphore, #tpu.memory_space<semaphore_mem>>)
    %dma_wait3A_480 = arith.constant 9 : i32
    %dma_wait3A_481 = arith.constant 0 : i32
    %dma_wait3A_482 = arith.constant 0 : i32
    %dma_wait3A_483 = arith.constant 0 : i32
    %dma_wait3A_484 = tpu.memref_slice %arg6[%dma_wait3A_481, %dma_wait3A_482, %dma_wait3A_483] : memref<3x32x1024xf32, #tpu.memory_space<vmem>> -> memref<1x32x1024xf32, #tpu.memory_space<vmem>>
    %dma_wait3A_485 = tpu.memref_squeeze %dma_wait3A_484 : memref<1x32x1024xf32, #tpu.memory_space<vmem>> -> memref<32x1024xf32, #tpu.memory_space<vmem>>
    %dma_wait3A_486 = arith.constant 0 : i32
    %dma_wait3A_487 = tpu.memref_slice %arg5[%dma_wait3A_480, %dma_wait3A_486] : memref<16x32xi32, #tpu.memory_space<vmem>> -> memref<1x32xi32, #tpu.memory_space<vmem>>
    %dma_wait3A_488 = tpu.memref_squeeze %dma_wait3A_487 : memref<1x32xi32, #tpu.memory_space<vmem>> -> memref<32xi32, #tpu.memory_space<vmem>>
    %dma_wait3A_489 = arith.constant 0 : i32
    %dma_wait3A_490 = arith.constant 0 : i32
    %dma_wait3A_491 = tpu.memref_slice %arg2[%dma_wait3A_489, %dma_wait3A_490] : memref<1000x1024xf32, #tpu.memory_space<hbm>> -> memref<1000x1024xf32, #tpu.memory_space<hbm>>
    tpu.wait_indirect_dma semaphore(%arg7 : memref<!tpu.dma_semaphore, #tpu.memory_space<semaphore_mem>>) src(%dma_wait3A_491 : memref<1000x1024xf32, #tpu.memory_space<hbm>>) dst(%dma_wait3A_485 : memref<32x1024xf32, #tpu.memory_space<vmem>>)
    %add3A_492 = arith.constant 288 : i32
    %add3A_493 = arith.addi %mul3A_2, %add3A_492 : i32
    %dma_start3A_494 = arith.constant 0 : i32
    %dma_start3A_495 = arith.constant 0 : i32
    %dma_start3A_496 = arith.constant 0 : i32
    %dma_start3A_497 = tpu.memref_slice %arg6[%dma_start3A_494, %dma_start3A_495, %dma_start3A_496] : memref<3x32x1024xf32, #tpu.memory_space<vmem>> -> memref<1x32x1024xf32, #tpu.memory_space<vmem>>
    %dma_start3A_498 = tpu.memref_squeeze %dma_start3A_497 : memref<1x32x1024xf32, #tpu.memory_space<vmem>> -> memref<32x1024xf32, #tpu.memory_space<vmem>>
    %dma_start3A_499 = arith.constant 0 : i32
    %dma_start3A_500 = tpu.memref_slice %arg4[%add3A_493, %dma_start3A_499] : memref<16384x1024xf32, #tpu.memory_space<hbm>> -> memref<32x1024xf32, #tpu.memory_space<hbm>>
    %dma_start3A_501 = arith.constant 0 : i32
    %dma_start3A_502 = tpu.memref_slice %arg4[%add3A_493, %dma_start3A_501] : memref<16384x1024xf32, #tpu.memory_space<hbm>> -> memref<32x1024xf32, #tpu.memory_space<hbm>>
    %dma_start3A_503 = arith.constant 0 : i32
    %dma_start3A_504 = arith.constant 0 : i32
    %dma_start3A_505 = tpu.memref_slice %arg6[%dma_start3A_494, %dma_start3A_503, %dma_start3A_504] : memref<3x32x1024xf32, #tpu.memory_space<vmem>> -> memref<1x32x1024xf32, #tpu.memory_space<vmem>>
    %dma_start3A_506 = tpu.memref_squeeze %dma_start3A_505 : memref<1x32x1024xf32, #tpu.memory_space<vmem>> -> memref<32x1024xf32, #tpu.memory_space<vmem>>
    tpu.enqueue_dma source(%dma_start3A_506 : memref<32x1024xf32, #tpu.memory_space<vmem>>) target(%dma_start3A_502 : memref<32x1024xf32, #tpu.memory_space<hbm>>) target_semaphore(%arg10 : memref<!tpu.dma_semaphore, #tpu.memory_space<semaphore_mem>>)
    %dma_wait3A_507 = arith.constant 2 : i32
    %dma_wait3A_508 = arith.constant 0 : i32
    %dma_wait3A_509 = arith.constant 0 : i32
    %dma_wait3A_510 = tpu.memref_slice %arg6[%dma_wait3A_507, %dma_wait3A_508, %dma_wait3A_509] : memref<3x32x1024xf32, #tpu.memory_space<vmem>> -> memref<1x32x1024xf32, #tpu.memory_space<vmem>>
    %dma_wait3A_511 = tpu.memref_squeeze %dma_wait3A_510 : memref<1x32x1024xf32, #tpu.memory_space<vmem>> -> memref<32x1024xf32, #tpu.memory_space<vmem>>
    %dma_wait3A_512 = arith.constant 0 : i32
    %dma_wait3A_513 = tpu.memref_slice %arg4[%add3A_441, %dma_wait3A_512] : memref<16384x1024xf32, #tpu.memory_space<hbm>> -> memref<32x1024xf32, #tpu.memory_space<hbm>>
    %dma_wait3A_514 = arith.constant 0 : i32
    %dma_wait3A_515 = tpu.memref_slice %arg4[%add3A_441, %dma_wait3A_514] : memref<16384x1024xf32, #tpu.memory_space<hbm>> -> memref<32x1024xf32, #tpu.memory_space<hbm>>
    %dma_wait3A_516 = arith.constant 0 : i32
    %dma_wait3A_517 = arith.constant 0 : i32
    %dma_wait3A_518 = tpu.memref_slice %arg6[%dma_wait3A_507, %dma_wait3A_516, %dma_wait3A_517] : memref<3x32x1024xf32, #tpu.memory_space<vmem>> -> memref<1x32x1024xf32, #tpu.memory_space<vmem>>
    %dma_wait3A_519 = tpu.memref_squeeze %dma_wait3A_518 : memref<1x32x1024xf32, #tpu.memory_space<vmem>> -> memref<32x1024xf32, #tpu.memory_space<vmem>>
    tpu.wait_dma2 semaphore(%arg12 : memref<!tpu.dma_semaphore, #tpu.memory_space<semaphore_mem>>) src(%dma_wait3A_519 : memref<32x1024xf32, #tpu.memory_space<vmem>>) dst(%dma_wait3A_515 : memref<32x1024xf32, #tpu.memory_space<hbm>>)
    %dma_start3A_520 = arith.constant 11 : i32
    %dma_start3A_521 = arith.constant 2 : i32
    %dma_start3A_522 = arith.constant 0 : i32
    %dma_start3A_523 = arith.constant 0 : i32
    %dma_start3A_524 = tpu.memref_slice %arg6[%dma_start3A_521, %dma_start3A_522, %dma_start3A_523] : memref<3x32x1024xf32, #tpu.memory_space<vmem>> -> memref<1x32x1024xf32, #tpu.memory_space<vmem>>
    %dma_start3A_525 = tpu.memref_squeeze %dma_start3A_524 : memref<1x32x1024xf32, #tpu.memory_space<vmem>> -> memref<32x1024xf32, #tpu.memory_space<vmem>>
    %dma_start3A_526 = arith.constant 0 : i32
    %dma_start3A_527 = tpu.memref_slice %arg5[%dma_start3A_520, %dma_start3A_526] : memref<16x32xi32, #tpu.memory_space<vmem>> -> memref<1x32xi32, #tpu.memory_space<vmem>>
    %dma_start3A_528 = tpu.memref_squeeze %dma_start3A_527 : memref<1x32xi32, #tpu.memory_space<vmem>> -> memref<32xi32, #tpu.memory_space<vmem>>
    %dma_start3A_529 = arith.constant 0 : i32
    %dma_start3A_530 = arith.constant 0 : i32
    %dma_start3A_531 = tpu.memref_slice %arg2[%dma_start3A_529, %dma_start3A_530] : memref<1000x1024xf32, #tpu.memory_space<hbm>> -> memref<1000x1024xf32, #tpu.memory_space<hbm>>
    tpu.enqueue_indirect_dma source(%dma_start3A_531 : memref<1000x1024xf32, #tpu.memory_space<hbm>>) target(%dma_start3A_525 : memref<32x1024xf32, #tpu.memory_space<vmem>>) offsets(%dma_start3A_528 : memref<32xi32, #tpu.memory_space<vmem>>) semaphore(%arg9 : memref<!tpu.dma_semaphore, #tpu.memory_space<semaphore_mem>>)
    %dma_wait3A_532 = arith.constant 10 : i32
    %dma_wait3A_533 = arith.constant 1 : i32
    %dma_wait3A_534 = arith.constant 0 : i32
    %dma_wait3A_535 = arith.constant 0 : i32
    %dma_wait3A_536 = tpu.memref_slice %arg6[%dma_wait3A_533, %dma_wait3A_534, %dma_wait3A_535] : memref<3x32x1024xf32, #tpu.memory_space<vmem>> -> memref<1x32x1024xf32, #tpu.memory_space<vmem>>
    %dma_wait3A_537 = tpu.memref_squeeze %dma_wait3A_536 : memref<1x32x1024xf32, #tpu.memory_space<vmem>> -> memref<32x1024xf32, #tpu.memory_space<vmem>>
    %dma_wait3A_538 = arith.constant 0 : i32
    %dma_wait3A_539 = tpu.memref_slice %arg5[%dma_wait3A_532, %dma_wait3A_538] : memref<16x32xi32, #tpu.memory_space<vmem>> -> memref<1x32xi32, #tpu.memory_space<vmem>>
    %dma_wait3A_540 = tpu.memref_squeeze %dma_wait3A_539 : memref<1x32xi32, #tpu.memory_space<vmem>> -> memref<32xi32, #tpu.memory_space<vmem>>
    %dma_wait3A_541 = arith.constant 0 : i32
    %dma_wait3A_542 = arith.constant 0 : i32
    %dma_wait3A_543 = tpu.memref_slice %arg2[%dma_wait3A_541, %dma_wait3A_542] : memref<1000x1024xf32, #tpu.memory_space<hbm>> -> memref<1000x1024xf32, #tpu.memory_space<hbm>>
    tpu.wait_indirect_dma semaphore(%arg8 : memref<!tpu.dma_semaphore, #tpu.memory_space<semaphore_mem>>) src(%dma_wait3A_543 : memref<1000x1024xf32, #tpu.memory_space<hbm>>) dst(%dma_wait3A_537 : memref<32x1024xf32, #tpu.memory_space<vmem>>)
    %add3A_544 = arith.constant 320 : i32
    %add3A_545 = arith.addi %mul3A_2, %add3A_544 : i32
    %dma_start3A_546 = arith.constant 1 : i32
    %dma_start3A_547 = arith.constant 0 : i32
    %dma_start3A_548 = arith.constant 0 : i32
    %dma_start3A_549 = tpu.memref_slice %arg6[%dma_start3A_546, %dma_start3A_547, %dma_start3A_548] : memref<3x32x1024xf32, #tpu.memory_space<vmem>> -> memref<1x32x1024xf32, #tpu.memory_space<vmem>>
    %dma_start3A_550 = tpu.memref_squeeze %dma_start3A_549 : memref<1x32x1024xf32, #tpu.memory_space<vmem>> -> memref<32x1024xf32, #tpu.memory_space<vmem>>
    %dma_start3A_551 = arith.constant 0 : i32
    %dma_start3A_552 = tpu.memref_slice %arg4[%add3A_545, %dma_start3A_551] : memref<16384x1024xf32, #tpu.memory_space<hbm>> -> memref<32x1024xf32, #tpu.memory_space<hbm>>
    %dma_start3A_553 = arith.constant 0 : i32
    %dma_start3A_554 = tpu.memref_slice %arg4[%add3A_545, %dma_start3A_553] : memref<16384x1024xf32, #tpu.memory_space<hbm>> -> memref<32x1024xf32, #tpu.memory_space<hbm>>
    %dma_start3A_555 = arith.constant 0 : i32
    %dma_start3A_556 = arith.constant 0 : i32
    %dma_start3A_557 = tpu.memref_slice %arg6[%dma_start3A_546, %dma_start3A_555, %dma_start3A_556] : memref<3x32x1024xf32, #tpu.memory_space<vmem>> -> memref<1x32x1024xf32, #tpu.memory_space<vmem>>
    %dma_start3A_558 = tpu.memref_squeeze %dma_start3A_557 : memref<1x32x1024xf32, #tpu.memory_space<vmem>> -> memref<32x1024xf32, #tpu.memory_space<vmem>>
    tpu.enqueue_dma source(%dma_start3A_558 : memref<32x1024xf32, #tpu.memory_space<vmem>>) target(%dma_start3A_554 : memref<32x1024xf32, #tpu.memory_space<hbm>>) target_semaphore(%arg11 : memref<!tpu.dma_semaphore, #tpu.memory_space<semaphore_mem>>)
    %dma_wait3A_559 = arith.constant 0 : i32
    %dma_wait3A_560 = arith.constant 0 : i32
    %dma_wait3A_561 = arith.constant 0 : i32
    %dma_wait3A_562 = tpu.memref_slice %arg6[%dma_wait3A_559, %dma_wait3A_560, %dma_wait3A_561] : memref<3x32x1024xf32, #tpu.memory_space<vmem>> -> memref<1x32x1024xf32, #tpu.memory_space<vmem>>
    %dma_wait3A_563 = tpu.memref_squeeze %dma_wait3A_562 : memref<1x32x1024xf32, #tpu.memory_space<vmem>> -> memref<32x1024xf32, #tpu.memory_space<vmem>>
    %dma_wait3A_564 = arith.constant 0 : i32
    %dma_wait3A_565 = tpu.memref_slice %arg4[%add3A_493, %dma_wait3A_564] : memref<16384x1024xf32, #tpu.memory_space<hbm>> -> memref<32x1024xf32, #tpu.memory_space<hbm>>
    %dma_wait3A_566 = arith.constant 0 : i32
    %dma_wait3A_567 = tpu.memref_slice %arg4[%add3A_493, %dma_wait3A_566] : memref<16384x1024xf32, #tpu.memory_space<hbm>> -> memref<32x1024xf32, #tpu.memory_space<hbm>>
    %dma_wait3A_568 = arith.constant 0 : i32
    %dma_wait3A_569 = arith.constant 0 : i32
    %dma_wait3A_570 = tpu.memref_slice %arg6[%dma_wait3A_559, %dma_wait3A_568, %dma_wait3A_569] : memref<3x32x1024xf32, #tpu.memory_space<vmem>> -> memref<1x32x1024xf32, #tpu.memory_space<vmem>>
    %dma_wait3A_571 = tpu.memref_squeeze %dma_wait3A_570 : memref<1x32x1024xf32, #tpu.memory_space<vmem>> -> memref<32x1024xf32, #tpu.memory_space<vmem>>
    tpu.wait_dma2 semaphore(%arg10 : memref<!tpu.dma_semaphore, #tpu.memory_space<semaphore_mem>>) src(%dma_wait3A_571 : memref<32x1024xf32, #tpu.memory_space<vmem>>) dst(%dma_wait3A_567 : memref<32x1024xf32, #tpu.memory_space<hbm>>)
    %dma_start3A_572 = arith.constant 12 : i32
    %dma_start3A_573 = arith.constant 0 : i32
    %dma_start3A_574 = arith.constant 0 : i32
    %dma_start3A_575 = arith.constant 0 : i32
    %dma_start3A_576 = tpu.memref_slice %arg6[%dma_start3A_573, %dma_start3A_574, %dma_start3A_575] : memref<3x32x1024xf32, #tpu.memory_space<vmem>> -> memref<1x32x1024xf32, #tpu.memory_space<vmem>>
    %dma_start3A_577 = tpu.memref_squeeze %dma_start3A_576 : memref<1x32x1024xf32, #tpu.memory_space<vmem>> -> memref<32x1024xf32, #tpu.memory_space<vmem>>
    %dma_start3A_578 = arith.constant 0 : i32
    %dma_start3A_579 = tpu.memref_slice %arg5[%dma_start3A_572, %dma_start3A_578] : memref<16x32xi32, #tpu.memory_space<vmem>> -> memref<1x32xi32, #tpu.memory_space<vmem>>
    %dma_start3A_580 = tpu.memref_squeeze %dma_start3A_579 : memref<1x32xi32, #tpu.memory_space<vmem>> -> memref<32xi32, #tpu.memory_space<vmem>>
    %dma_start3A_581 = arith.constant 0 : i32
    %dma_start3A_582 = arith.constant 0 : i32
    %dma_start3A_583 = tpu.memref_slice %arg2[%dma_start3A_581, %dma_start3A_582] : memref<1000x1024xf32, #tpu.memory_space<hbm>> -> memref<1000x1024xf32, #tpu.memory_space<hbm>>
    tpu.enqueue_indirect_dma source(%dma_start3A_583 : memref<1000x1024xf32, #tpu.memory_space<hbm>>) target(%dma_start3A_577 : memref<32x1024xf32, #tpu.memory_space<vmem>>) offsets(%dma_start3A_580 : memref<32xi32, #tpu.memory_space<vmem>>) semaphore(%arg7 : memref<!tpu.dma_semaphore, #tpu.memory_space<semaphore_mem>>)
    %dma_wait3A_584 = arith.constant 11 : i32
    %dma_wait3A_585 = arith.constant 2 : i32
    %dma_wait3A_586 = arith.constant 0 : i32
    %dma_wait3A_587 = arith.constant 0 : i32
    %dma_wait3A_588 = tpu.memref_slice %arg6[%dma_wait3A_585, %dma_wait3A_586, %dma_wait3A_587] : memref<3x32x1024xf32, #tpu.memory_space<vmem>> -> memref<1x32x1024xf32, #tpu.memory_space<vmem>>
    %dma_wait3A_589 = tpu.memref_squeeze %dma_wait3A_588 : memref<1x32x1024xf32, #tpu.memory_space<vmem>> -> memref<32x1024xf32, #tpu.memory_space<vmem>>
    %dma_wait3A_590 = arith.constant 0 : i32
    %dma_wait3A_591 = tpu.memref_slice %arg5[%dma_wait3A_584, %dma_wait3A_590] : memref<16x32xi32, #tpu.memory_space<vmem>> -> memref<1x32xi32, #tpu.memory_space<vmem>>
    %dma_wait3A_592 = tpu.memref_squeeze %dma_wait3A_591 : memref<1x32xi32, #tpu.memory_space<vmem>> -> memref<32xi32, #tpu.memory_space<vmem>>
    %dma_wait3A_593 = arith.constant 0 : i32
    %dma_wait3A_594 = arith.constant 0 : i32
    %dma_wait3A_595 = tpu.memref_slice %arg2[%dma_wait3A_593, %dma_wait3A_594] : memref<1000x1024xf32, #tpu.memory_space<hbm>> -> memref<1000x1024xf32, #tpu.memory_space<hbm>>
    tpu.wait_indirect_dma semaphore(%arg9 : memref<!tpu.dma_semaphore, #tpu.memory_space<semaphore_mem>>) src(%dma_wait3A_595 : memref<1000x1024xf32, #tpu.memory_space<hbm>>) dst(%dma_wait3A_589 : memref<32x1024xf32, #tpu.memory_space<vmem>>)
    %add3A_596 = arith.constant 352 : i32
    %add3A_597 = arith.addi %mul3A_2, %add3A_596 : i32
    %dma_start3A_598 = arith.constant 2 : i32
    %dma_start3A_599 = arith.constant 0 : i32
    %dma_start3A_600 = arith.constant 0 : i32
    %dma_start3A_601 = tpu.memref_slice %arg6[%dma_start3A_598, %dma_start3A_599, %dma_start3A_600] : memref<3x32x1024xf32, #tpu.memory_space<vmem>> -> memref<1x32x1024xf32, #tpu.memory_space<vmem>>
    %dma_start3A_602 = tpu.memref_squeeze %dma_start3A_601 : memref<1x32x1024xf32, #tpu.memory_space<vmem>> -> memref<32x1024xf32, #tpu.memory_space<vmem>>
    %dma_start3A_603 = arith.constant 0 : i32
    %dma_start3A_604 = tpu.memref_slice %arg4[%add3A_597, %dma_start3A_603] : memref<16384x1024xf32, #tpu.memory_space<hbm>> -> memref<32x1024xf32, #tpu.memory_space<hbm>>
    %dma_start3A_605 = arith.constant 0 : i32
    %dma_start3A_606 = tpu.memref_slice %arg4[%add3A_597, %dma_start3A_605] : memref<16384x1024xf32, #tpu.memory_space<hbm>> -> memref<32x1024xf32, #tpu.memory_space<hbm>>
    %dma_start3A_607 = arith.constant 0 : i32
    %dma_start3A_608 = arith.constant 0 : i32
    %dma_start3A_609 = tpu.memref_slice %arg6[%dma_start3A_598, %dma_start3A_607, %dma_start3A_608] : memref<3x32x1024xf32, #tpu.memory_space<vmem>> -> memref<1x32x1024xf32, #tpu.memory_space<vmem>>
    %dma_start3A_610 = tpu.memref_squeeze %dma_start3A_609 : memref<1x32x1024xf32, #tpu.memory_space<vmem>> -> memref<32x1024xf32, #tpu.memory_space<vmem>>
    tpu.enqueue_dma source(%dma_start3A_610 : memref<32x1024xf32, #tpu.memory_space<vmem>>) target(%dma_start3A_606 : memref<32x1024xf32, #tpu.memory_space<hbm>>) target_semaphore(%arg12 : memref<!tpu.dma_semaphore, #tpu.memory_space<semaphore_mem>>)
    %dma_wait3A_611 = arith.constant 1 : i32
    %dma_wait3A_612 = arith.constant 0 : i32
    %dma_wait3A_613 = arith.constant 0 : i32
    %dma_wait3A_614 = tpu.memref_slice %arg6[%dma_wait3A_611, %dma_wait3A_612, %dma_wait3A_613] : memref<3x32x1024xf32, #tpu.memory_space<vmem>> -> memref<1x32x1024xf32, #tpu.memory_space<vmem>>
    %dma_wait3A_615 = tpu.memref_squeeze %dma_wait3A_614 : memref<1x32x1024xf32, #tpu.memory_space<vmem>> -> memref<32x1024xf32, #tpu.memory_space<vmem>>
    %dma_wait3A_616 = arith.constant 0 : i32
    %dma_wait3A_617 = tpu.memref_slice %arg4[%add3A_545, %dma_wait3A_616] : memref<16384x1024xf32, #tpu.memory_space<hbm>> -> memref<32x1024xf32, #tpu.memory_space<hbm>>
    %dma_wait3A_618 = arith.constant 0 : i32
    %dma_wait3A_619 = tpu.memref_slice %arg4[%add3A_545, %dma_wait3A_618] : memref<16384x1024xf32, #tpu.memory_space<hbm>> -> memref<32x1024xf32, #tpu.memory_space<hbm>>
    %dma_wait3A_620 = arith.constant 0 : i32
    %dma_wait3A_621 = arith.constant 0 : i32
    %dma_wait3A_622 = tpu.memref_slice %arg6[%dma_wait3A_611, %dma_wait3A_620, %dma_wait3A_621] : memref<3x32x1024xf32, #tpu.memory_space<vmem>> -> memref<1x32x1024xf32, #tpu.memory_space<vmem>>
    %dma_wait3A_623 = tpu.memref_squeeze %dma_wait3A_622 : memref<1x32x1024xf32, #tpu.memory_space<vmem>> -> memref<32x1024xf32, #tpu.memory_space<vmem>>
    tpu.wait_dma2 semaphore(%arg11 : memref<!tpu.dma_semaphore, #tpu.memory_space<semaphore_mem>>) src(%dma_wait3A_623 : memref<32x1024xf32, #tpu.memory_space<vmem>>) dst(%dma_wait3A_619 : memref<32x1024xf32, #tpu.memory_space<hbm>>)
    %dma_start3A_624 = arith.constant 13 : i32
    %dma_start3A_625 = arith.constant 1 : i32
    %dma_start3A_626 = arith.constant 0 : i32
    %dma_start3A_627 = arith.constant 0 : i32
    %dma_start3A_628 = tpu.memref_slice %arg6[%dma_start3A_625, %dma_start3A_626, %dma_start3A_627] : memref<3x32x1024xf32, #tpu.memory_space<vmem>> -> memref<1x32x1024xf32, #tpu.memory_space<vmem>>
    %dma_start3A_629 = tpu.memref_squeeze %dma_start3A_628 : memref<1x32x1024xf32, #tpu.memory_space<vmem>> -> memref<32x1024xf32, #tpu.memory_space<vmem>>
    %dma_start3A_630 = arith.constant 0 : i32
    %dma_start3A_631 = tpu.memref_slice %arg5[%dma_start3A_624, %dma_start3A_630] : memref<16x32xi32, #tpu.memory_space<vmem>> -> memref<1x32xi32, #tpu.memory_space<vmem>>
    %dma_start3A_632 = tpu.memref_squeeze %dma_start3A_631 : memref<1x32xi32, #tpu.memory_space<vmem>> -> memref<32xi32, #tpu.memory_space<vmem>>
    %dma_start3A_633 = arith.constant 0 : i32
    %dma_start3A_634 = arith.constant 0 : i32
    %dma_start3A_635 = tpu.memref_slice %arg2[%dma_start3A_633, %dma_start3A_634] : memref<1000x1024xf32, #tpu.memory_space<hbm>> -> memref<1000x1024xf32, #tpu.memory_space<hbm>>
    tpu.enqueue_indirect_dma source(%dma_start3A_635 : memref<1000x1024xf32, #tpu.memory_space<hbm>>) target(%dma_start3A_629 : memref<32x1024xf32, #tpu.memory_space<vmem>>) offsets(%dma_start3A_632 : memref<32xi32, #tpu.memory_space<vmem>>) semaphore(%arg8 : memref<!tpu.dma_semaphore, #tpu.memory_space<semaphore_mem>>)
    %dma_wait3A_636 = arith.constant 12 : i32
    %dma_wait3A_637 = arith.constant 0 : i32
    %dma_wait3A_638 = arith.constant 0 : i32
    %dma_wait3A_639 = arith.constant 0 : i32
    %dma_wait3A_640 = tpu.memref_slice %arg6[%dma_wait3A_637, %dma_wait3A_638, %dma_wait3A_639] : memref<3x32x1024xf32, #tpu.memory_space<vmem>> -> memref<1x32x1024xf32, #tpu.memory_space<vmem>>
    %dma_wait3A_641 = tpu.memref_squeeze %dma_wait3A_640 : memref<1x32x1024xf32, #tpu.memory_space<vmem>> -> memref<32x1024xf32, #tpu.memory_space<vmem>>
    %dma_wait3A_642 = arith.constant 0 : i32
    %dma_wait3A_643 = tpu.memref_slice %arg5[%dma_wait3A_636, %dma_wait3A_642] : memref<16x32xi32, #tpu.memory_space<vmem>> -> memref<1x32xi32, #tpu.memory_space<vmem>>
    %dma_wait3A_644 = tpu.memref_squeeze %dma_wait3A_643 : memref<1x32xi32, #tpu.memory_space<vmem>> -> memref<32xi32, #tpu.memory_space<vmem>>
    %dma_wait3A_645 = arith.constant 0 : i32
    %dma_wait3A_646 = arith.constant 0 : i32
    %dma_wait3A_647 = tpu.memref_slice %arg2[%dma_wait3A_645, %dma_wait3A_646] : memref<1000x1024xf32, #tpu.memory_space<hbm>> -> memref<1000x1024xf32, #tpu.memory_space<hbm>>
    tpu.wait_indirect_dma semaphore(%arg7 : memref<!tpu.dma_semaphore, #tpu.memory_space<semaphore_mem>>) src(%dma_wait3A_647 : memref<1000x1024xf32, #tpu.memory_space<hbm>>) dst(%dma_wait3A_641 : memref<32x1024xf32, #tpu.memory_space<vmem>>)
    %add3A_648 = arith.constant 384 : i32
    %add3A_649 = arith.addi %mul3A_2, %add3A_648 : i32
    %dma_start3A_650 = arith.constant 0 : i32
    %dma_start3A_651 = arith.constant 0 : i32
    %dma_start3A_652 = arith.constant 0 : i32
    %dma_start3A_653 = tpu.memref_slice %arg6[%dma_start3A_650, %dma_start3A_651, %dma_start3A_652] : memref<3x32x1024xf32, #tpu.memory_space<vmem>> -> memref<1x32x1024xf32, #tpu.memory_space<vmem>>
    %dma_start3A_654 = tpu.memref_squeeze %dma_start3A_653 : memref<1x32x1024xf32, #tpu.memory_space<vmem>> -> memref<32x1024xf32, #tpu.memory_space<vmem>>
    %dma_start3A_655 = arith.constant 0 : i32
    %dma_start3A_656 = tpu.memref_slice %arg4[%add3A_649, %dma_start3A_655] : memref<16384x1024xf32, #tpu.memory_space<hbm>> -> memref<32x1024xf32, #tpu.memory_space<hbm>>
    %dma_start3A_657 = arith.constant 0 : i32
    %dma_start3A_658 = tpu.memref_slice %arg4[%add3A_649, %dma_start3A_657] : memref<16384x1024xf32, #tpu.memory_space<hbm>> -> memref<32x1024xf32, #tpu.memory_space<hbm>>
    %dma_start3A_659 = arith.constant 0 : i32
    %dma_start3A_660 = arith.constant 0 : i32
    %dma_start3A_661 = tpu.memref_slice %arg6[%dma_start3A_650, %dma_start3A_659, %dma_start3A_660] : memref<3x32x1024xf32, #tpu.memory_space<vmem>> -> memref<1x32x1024xf32, #tpu.memory_space<vmem>>
    %dma_start3A_662 = tpu.memref_squeeze %dma_start3A_661 : memref<1x32x1024xf32, #tpu.memory_space<vmem>> -> memref<32x1024xf32, #tpu.memory_space<vmem>>
    tpu.enqueue_dma source(%dma_start3A_662 : memref<32x1024xf32, #tpu.memory_space<vmem>>) target(%dma_start3A_658 : memref<32x1024xf32, #tpu.memory_space<hbm>>) target_semaphore(%arg10 : memref<!tpu.dma_semaphore, #tpu.memory_space<semaphore_mem>>)
    %dma_wait3A_663 = arith.constant 2 : i32
    %dma_wait3A_664 = arith.constant 0 : i32
    %dma_wait3A_665 = arith.constant 0 : i32
    %dma_wait3A_666 = tpu.memref_slice %arg6[%dma_wait3A_663, %dma_wait3A_664, %dma_wait3A_665] : memref<3x32x1024xf32, #tpu.memory_space<vmem>> -> memref<1x32x1024xf32, #tpu.memory_space<vmem>>
    %dma_wait3A_667 = tpu.memref_squeeze %dma_wait3A_666 : memref<1x32x1024xf32, #tpu.memory_space<vmem>> -> memref<32x1024xf32, #tpu.memory_space<vmem>>
    %dma_wait3A_668 = arith.constant 0 : i32
    %dma_wait3A_669 = tpu.memref_slice %arg4[%add3A_597, %dma_wait3A_668] : memref<16384x1024xf32, #tpu.memory_space<hbm>> -> memref<32x1024xf32, #tpu.memory_space<hbm>>
    %dma_wait3A_670 = arith.constant 0 : i32
    %dma_wait3A_671 = tpu.memref_slice %arg4[%add3A_597, %dma_wait3A_670] : memref<16384x1024xf32, #tpu.memory_space<hbm>> -> memref<32x1024xf32, #tpu.memory_space<hbm>>
    %dma_wait3A_672 = arith.constant 0 : i32
    %dma_wait3A_673 = arith.constant 0 : i32
    %dma_wait3A_674 = tpu.memref_slice %arg6[%dma_wait3A_663, %dma_wait3A_672, %dma_wait3A_673] : memref<3x32x1024xf32, #tpu.memory_space<vmem>> -> memref<1x32x1024xf32, #tpu.memory_space<vmem>>
    %dma_wait3A_675 = tpu.memref_squeeze %dma_wait3A_674 : memref<1x32x1024xf32, #tpu.memory_space<vmem>> -> memref<32x1024xf32, #tpu.memory_space<vmem>>
    tpu.wait_dma2 semaphore(%arg12 : memref<!tpu.dma_semaphore, #tpu.memory_space<semaphore_mem>>) src(%dma_wait3A_675 : memref<32x1024xf32, #tpu.memory_space<vmem>>) dst(%dma_wait3A_671 : memref<32x1024xf32, #tpu.memory_space<hbm>>)
    %dma_start3A_676 = arith.constant 14 : i32
    %dma_start3A_677 = arith.constant 2 : i32
    %dma_start3A_678 = arith.constant 0 : i32
    %dma_start3A_679 = arith.constant 0 : i32
    %dma_start3A_680 = tpu.memref_slice %arg6[%dma_start3A_677, %dma_start3A_678, %dma_start3A_679] : memref<3x32x1024xf32, #tpu.memory_space<vmem>> -> memref<1x32x1024xf32, #tpu.memory_space<vmem>>
    %dma_start3A_681 = tpu.memref_squeeze %dma_start3A_680 : memref<1x32x1024xf32, #tpu.memory_space<vmem>> -> memref<32x1024xf32, #tpu.memory_space<vmem>>
    %dma_start3A_682 = arith.constant 0 : i32
    %dma_start3A_683 = tpu.memref_slice %arg5[%dma_start3A_676, %dma_start3A_682] : memref<16x32xi32, #tpu.memory_space<vmem>> -> memref<1x32xi32, #tpu.memory_space<vmem>>
    %dma_start3A_684 = tpu.memref_squeeze %dma_start3A_683 : memref<1x32xi32, #tpu.memory_space<vmem>> -> memref<32xi32, #tpu.memory_space<vmem>>
    %dma_start3A_685 = arith.constant 0 : i32
    %dma_start3A_686 = arith.constant 0 : i32
    %dma_start3A_687 = tpu.memref_slice %arg2[%dma_start3A_685, %dma_start3A_686] : memref<1000x1024xf32, #tpu.memory_space<hbm>> -> memref<1000x1024xf32, #tpu.memory_space<hbm>>
    tpu.enqueue_indirect_dma source(%dma_start3A_687 : memref<1000x1024xf32, #tpu.memory_space<hbm>>) target(%dma_start3A_681 : memref<32x1024xf32, #tpu.memory_space<vmem>>) offsets(%dma_start3A_684 : memref<32xi32, #tpu.memory_space<vmem>>) semaphore(%arg9 : memref<!tpu.dma_semaphore, #tpu.memory_space<semaphore_mem>>)
    %dma_wait3A_688 = arith.constant 13 : i32
    %dma_wait3A_689 = arith.constant 1 : i32
    %dma_wait3A_690 = arith.constant 0 : i32
    %dma_wait3A_691 = arith.constant 0 : i32
    %dma_wait3A_692 = tpu.memref_slice %arg6[%dma_wait3A_689, %dma_wait3A_690, %dma_wait3A_691] : memref<3x32x1024xf32, #tpu.memory_space<vmem>> -> memref<1x32x1024xf32, #tpu.memory_space<vmem>>
    %dma_wait3A_693 = tpu.memref_squeeze %dma_wait3A_692 : memref<1x32x1024xf32, #tpu.memory_space<vmem>> -> memref<32x1024xf32, #tpu.memory_space<vmem>>
    %dma_wait3A_694 = arith.constant 0 : i32
    %dma_wait3A_695 = tpu.memref_slice %arg5[%dma_wait3A_688, %dma_wait3A_694] : memref<16x32xi32, #tpu.memory_space<vmem>> -> memref<1x32xi32, #tpu.memory_space<vmem>>
    %dma_wait3A_696 = tpu.memref_squeeze %dma_wait3A_695 : memref<1x32xi32, #tpu.memory_space<vmem>> -> memref<32xi32, #tpu.memory_space<vmem>>
    %dma_wait3A_697 = arith.constant 0 : i32
    %dma_wait3A_698 = arith.constant 0 : i32
    %dma_wait3A_699 = tpu.memref_slice %arg2[%dma_wait3A_697, %dma_wait3A_698] : memref<1000x1024xf32, #tpu.memory_space<hbm>> -> memref<1000x1024xf32, #tpu.memory_space<hbm>>
    tpu.wait_indirect_dma semaphore(%arg8 : memref<!tpu.dma_semaphore, #tpu.memory_space<semaphore_mem>>) src(%dma_wait3A_699 : memref<1000x1024xf32, #tpu.memory_space<hbm>>) dst(%dma_wait3A_693 : memref<32x1024xf32, #tpu.memory_space<vmem>>)
    %add3A_700 = arith.constant 416 : i32
    %add3A_701 = arith.addi %mul3A_2, %add3A_700 : i32
    %dma_start3A_702 = arith.constant 1 : i32
    %dma_start3A_703 = arith.constant 0 : i32
    %dma_start3A_704 = arith.constant 0 : i32
    %dma_start3A_705 = tpu.memref_slice %arg6[%dma_start3A_702, %dma_start3A_703, %dma_start3A_704] : memref<3x32x1024xf32, #tpu.memory_space<vmem>> -> memref<1x32x1024xf32, #tpu.memory_space<vmem>>
    %dma_start3A_706 = tpu.memref_squeeze %dma_start3A_705 : memref<1x32x1024xf32, #tpu.memory_space<vmem>> -> memref<32x1024xf32, #tpu.memory_space<vmem>>
    %dma_start3A_707 = arith.constant 0 : i32
    %dma_start3A_708 = tpu.memref_slice %arg4[%add3A_701, %dma_start3A_707] : memref<16384x1024xf32, #tpu.memory_space<hbm>> -> memref<32x1024xf32, #tpu.memory_space<hbm>>
    %dma_start3A_709 = arith.constant 0 : i32
    %dma_start3A_710 = tpu.memref_slice %arg4[%add3A_701, %dma_start3A_709] : memref<16384x1024xf32, #tpu.memory_space<hbm>> -> memref<32x1024xf32, #tpu.memory_space<hbm>>
    %dma_start3A_711 = arith.constant 0 : i32
    %dma_start3A_712 = arith.constant 0 : i32
    %dma_start3A_713 = tpu.memref_slice %arg6[%dma_start3A_702, %dma_start3A_711, %dma_start3A_712] : memref<3x32x1024xf32, #tpu.memory_space<vmem>> -> memref<1x32x1024xf32, #tpu.memory_space<vmem>>
    %dma_start3A_714 = tpu.memref_squeeze %dma_start3A_713 : memref<1x32x1024xf32, #tpu.memory_space<vmem>> -> memref<32x1024xf32, #tpu.memory_space<vmem>>
    tpu.enqueue_dma source(%dma_start3A_714 : memref<32x1024xf32, #tpu.memory_space<vmem>>) target(%dma_start3A_710 : memref<32x1024xf32, #tpu.memory_space<hbm>>) target_semaphore(%arg11 : memref<!tpu.dma_semaphore, #tpu.memory_space<semaphore_mem>>)
    %dma_wait3A_715 = arith.constant 0 : i32
    %dma_wait3A_716 = arith.constant 0 : i32
    %dma_wait3A_717 = arith.constant 0 : i32
    %dma_wait3A_718 = tpu.memref_slice %arg6[%dma_wait3A_715, %dma_wait3A_716, %dma_wait3A_717] : memref<3x32x1024xf32, #tpu.memory_space<vmem>> -> memref<1x32x1024xf32, #tpu.memory_space<vmem>>
    %dma_wait3A_719 = tpu.memref_squeeze %dma_wait3A_718 : memref<1x32x1024xf32, #tpu.memory_space<vmem>> -> memref<32x1024xf32, #tpu.memory_space<vmem>>
    %dma_wait3A_720 = arith.constant 0 : i32
    %dma_wait3A_721 = tpu.memref_slice %arg4[%add3A_649, %dma_wait3A_720] : memref<16384x1024xf32, #tpu.memory_space<hbm>> -> memref<32x1024xf32, #tpu.memory_space<hbm>>
    %dma_wait3A_722 = arith.constant 0 : i32
    %dma_wait3A_723 = tpu.memref_slice %arg4[%add3A_649, %dma_wait3A_722] : memref<16384x1024xf32, #tpu.memory_space<hbm>> -> memref<32x1024xf32, #tpu.memory_space<hbm>>
    %dma_wait3A_724 = arith.constant 0 : i32
    %dma_wait3A_725 = arith.constant 0 : i32
    %dma_wait3A_726 = tpu.memref_slice %arg6[%dma_wait3A_715, %dma_wait3A_724, %dma_wait3A_725] : memref<3x32x1024xf32, #tpu.memory_space<vmem>> -> memref<1x32x1024xf32, #tpu.memory_space<vmem>>
    %dma_wait3A_727 = tpu.memref_squeeze %dma_wait3A_726 : memref<1x32x1024xf32, #tpu.memory_space<vmem>> -> memref<32x1024xf32, #tpu.memory_space<vmem>>
    tpu.wait_dma2 semaphore(%arg10 : memref<!tpu.dma_semaphore, #tpu.memory_space<semaphore_mem>>) src(%dma_wait3A_727 : memref<32x1024xf32, #tpu.memory_space<vmem>>) dst(%dma_wait3A_723 : memref<32x1024xf32, #tpu.memory_space<hbm>>)
    %dma_start3A_728 = arith.constant 15 : i32
    %dma_start3A_729 = arith.constant 0 : i32
    %dma_start3A_730 = arith.constant 0 : i32
    %dma_start3A_731 = arith.constant 0 : i32
    %dma_start3A_732 = tpu.memref_slice %arg6[%dma_start3A_729, %dma_start3A_730, %dma_start3A_731] : memref<3x32x1024xf32, #tpu.memory_space<vmem>> -> memref<1x32x1024xf32, #tpu.memory_space<vmem>>
    %dma_start3A_733 = tpu.memref_squeeze %dma_start3A_732 : memref<1x32x1024xf32, #tpu.memory_space<vmem>> -> memref<32x1024xf32, #tpu.memory_space<vmem>>
    %dma_start3A_734 = arith.constant 0 : i32
    %dma_start3A_735 = tpu.memref_slice %arg5[%dma_start3A_728, %dma_start3A_734] : memref<16x32xi32, #tpu.memory_space<vmem>> -> memref<1x32xi32, #tpu.memory_space<vmem>>
    %dma_start3A_736 = tpu.memref_squeeze %dma_start3A_735 : memref<1x32xi32, #tpu.memory_space<vmem>> -> memref<32xi32, #tpu.memory_space<vmem>>
    %dma_start3A_737 = arith.constant 0 : i32
    %dma_start3A_738 = arith.constant 0 : i32
    %dma_start3A_739 = tpu.memref_slice %arg2[%dma_start3A_737, %dma_start3A_738] : memref<1000x1024xf32, #tpu.memory_space<hbm>> -> memref<1000x1024xf32, #tpu.memory_space<hbm>>
    tpu.enqueue_indirect_dma source(%dma_start3A_739 : memref<1000x1024xf32, #tpu.memory_space<hbm>>) target(%dma_start3A_733 : memref<32x1024xf32, #tpu.memory_space<vmem>>) offsets(%dma_start3A_736 : memref<32xi32, #tpu.memory_space<vmem>>) semaphore(%arg7 : memref<!tpu.dma_semaphore, #tpu.memory_space<semaphore_mem>>)
    %dma_wait3A_740 = arith.constant 14 : i32
    %dma_wait3A_741 = arith.constant 2 : i32
    %dma_wait3A_742 = arith.constant 0 : i32
    %dma_wait3A_743 = arith.constant 0 : i32
    %dma_wait3A_744 = tpu.memref_slice %arg6[%dma_wait3A_741, %dma_wait3A_742, %dma_wait3A_743] : memref<3x32x1024xf32, #tpu.memory_space<vmem>> -> memref<1x32x1024xf32, #tpu.memory_space<vmem>>
    %dma_wait3A_745 = tpu.memref_squeeze %dma_wait3A_744 : memref<1x32x1024xf32, #tpu.memory_space<vmem>> -> memref<32x1024xf32, #tpu.memory_space<vmem>>
    %dma_wait3A_746 = arith.constant 0 : i32
    %dma_wait3A_747 = tpu.memref_slice %arg5[%dma_wait3A_740, %dma_wait3A_746] : memref<16x32xi32, #tpu.memory_space<vmem>> -> memref<1x32xi32, #tpu.memory_space<vmem>>
    %dma_wait3A_748 = tpu.memref_squeeze %dma_wait3A_747 : memref<1x32xi32, #tpu.memory_space<vmem>> -> memref<32xi32, #tpu.memory_space<vmem>>
    %dma_wait3A_749 = arith.constant 0 : i32
    %dma_wait3A_750 = arith.constant 0 : i32
    %dma_wait3A_751 = tpu.memref_slice %arg2[%dma_wait3A_749, %dma_wait3A_750] : memref<1000x1024xf32, #tpu.memory_space<hbm>> -> memref<1000x1024xf32, #tpu.memory_space<hbm>>
    tpu.wait_indirect_dma semaphore(%arg9 : memref<!tpu.dma_semaphore, #tpu.memory_space<semaphore_mem>>) src(%dma_wait3A_751 : memref<1000x1024xf32, #tpu.memory_space<hbm>>) dst(%dma_wait3A_745 : memref<32x1024xf32, #tpu.memory_space<vmem>>)
    %add3A_752 = arith.constant 448 : i32
    %add3A_753 = arith.addi %mul3A_2, %add3A_752 : i32
    %dma_start3A_754 = arith.constant 2 : i32
    %dma_start3A_755 = arith.constant 0 : i32
    %dma_start3A_756 = arith.constant 0 : i32
    %dma_start3A_757 = tpu.memref_slice %arg6[%dma_start3A_754, %dma_start3A_755, %dma_start3A_756] : memref<3x32x1024xf32, #tpu.memory_space<vmem>> -> memref<1x32x1024xf32, #tpu.memory_space<vmem>>
    %dma_start3A_758 = tpu.memref_squeeze %dma_start3A_757 : memref<1x32x1024xf32, #tpu.memory_space<vmem>> -> memref<32x1024xf32, #tpu.memory_space<vmem>>
    %dma_start3A_759 = arith.constant 0 : i32
    %dma_start3A_760 = tpu.memref_slice %arg4[%add3A_753, %dma_start3A_759] : memref<16384x1024xf32, #tpu.memory_space<hbm>> -> memref<32x1024xf32, #tpu.memory_space<hbm>>
    %dma_start3A_761 = arith.constant 0 : i32
    %dma_start3A_762 = tpu.memref_slice %arg4[%add3A_753, %dma_start3A_761] : memref<16384x1024xf32, #tpu.memory_space<hbm>> -> memref<32x1024xf32, #tpu.memory_space<hbm>>
    %dma_start3A_763 = arith.constant 0 : i32
    %dma_start3A_764 = arith.constant 0 : i32
    %dma_start3A_765 = tpu.memref_slice %arg6[%dma_start3A_754, %dma_start3A_763, %dma_start3A_764] : memref<3x32x1024xf32, #tpu.memory_space<vmem>> -> memref<1x32x1024xf32, #tpu.memory_space<vmem>>
    %dma_start3A_766 = tpu.memref_squeeze %dma_start3A_765 : memref<1x32x1024xf32, #tpu.memory_space<vmem>> -> memref<32x1024xf32, #tpu.memory_space<vmem>>
    tpu.enqueue_dma source(%dma_start3A_766 : memref<32x1024xf32, #tpu.memory_space<vmem>>) target(%dma_start3A_762 : memref<32x1024xf32, #tpu.memory_space<hbm>>) target_semaphore(%arg12 : memref<!tpu.dma_semaphore, #tpu.memory_space<semaphore_mem>>)
    %dma_wait3A_767 = arith.constant 15 : i32
    %dma_wait3A_768 = arith.constant 0 : i32
    %dma_wait3A_769 = arith.constant 0 : i32
    %dma_wait3A_770 = arith.constant 0 : i32
    %dma_wait3A_771 = tpu.memref_slice %arg6[%dma_wait3A_768, %dma_wait3A_769, %dma_wait3A_770] : memref<3x32x1024xf32, #tpu.memory_space<vmem>> -> memref<1x32x1024xf32, #tpu.memory_space<vmem>>
    %dma_wait3A_772 = tpu.memref_squeeze %dma_wait3A_771 : memref<1x32x1024xf32, #tpu.memory_space<vmem>> -> memref<32x1024xf32, #tpu.memory_space<vmem>>
    %dma_wait3A_773 = arith.constant 0 : i32
    %dma_wait3A_774 = tpu.memref_slice %arg5[%dma_wait3A_767, %dma_wait3A_773] : memref<16x32xi32, #tpu.memory_space<vmem>> -> memref<1x32xi32, #tpu.memory_space<vmem>>
    %dma_wait3A_775 = tpu.memref_squeeze %dma_wait3A_774 : memref<1x32xi32, #tpu.memory_space<vmem>> -> memref<32xi32, #tpu.memory_space<vmem>>
    %dma_wait3A_776 = arith.constant 0 : i32
    %dma_wait3A_777 = arith.constant 0 : i32
    %dma_wait3A_778 = tpu.memref_slice %arg2[%dma_wait3A_776, %dma_wait3A_777] : memref<1000x1024xf32, #tpu.memory_space<hbm>> -> memref<1000x1024xf32, #tpu.memory_space<hbm>>
    tpu.wait_indirect_dma semaphore(%arg7 : memref<!tpu.dma_semaphore, #tpu.memory_space<semaphore_mem>>) src(%dma_wait3A_778 : memref<1000x1024xf32, #tpu.memory_space<hbm>>) dst(%dma_wait3A_772 : memref<32x1024xf32, #tpu.memory_space<vmem>>)
    %add3A_779 = arith.constant 480 : i32
    %add3A_780 = arith.addi %mul3A_2, %add3A_779 : i32
    %dma_start3A_781 = arith.constant 0 : i32
    %dma_start3A_782 = arith.constant 0 : i32
    %dma_start3A_783 = arith.constant 0 : i32
    %dma_start3A_784 = tpu.memref_slice %arg6[%dma_start3A_781, %dma_start3A_782, %dma_start3A_783] : memref<3x32x1024xf32, #tpu.memory_space<vmem>> -> memref<1x32x1024xf32, #tpu.memory_space<vmem>>
    %dma_start3A_785 = tpu.memref_squeeze %dma_start3A_784 : memref<1x32x1024xf32, #tpu.memory_space<vmem>> -> memref<32x1024xf32, #tpu.memory_space<vmem>>
    %dma_start3A_786 = arith.constant 0 : i32
    %dma_start3A_787 = tpu.memref_slice %arg4[%add3A_780, %dma_start3A_786] : memref<16384x1024xf32, #tpu.memory_space<hbm>> -> memref<32x1024xf32, #tpu.memory_space<hbm>>
    %dma_start3A_788 = arith.constant 0 : i32
    %dma_start3A_789 = tpu.memref_slice %arg4[%add3A_780, %dma_start3A_788] : memref<16384x1024xf32, #tpu.memory_space<hbm>> -> memref<32x1024xf32, #tpu.memory_space<hbm>>
    %dma_start3A_790 = arith.constant 0 : i32
    %dma_start3A_791 = arith.constant 0 : i32
    %dma_start3A_792 = tpu.memref_slice %arg6[%dma_start3A_781, %dma_start3A_790, %dma_start3A_791] : memref<3x32x1024xf32, #tpu.memory_space<vmem>> -> memref<1x32x1024xf32, #tpu.memory_space<vmem>>
    %dma_start3A_793 = tpu.memref_squeeze %dma_start3A_792 : memref<1x32x1024xf32, #tpu.memory_space<vmem>> -> memref<32x1024xf32, #tpu.memory_space<vmem>>
    tpu.enqueue_dma source(%dma_start3A_793 : memref<32x1024xf32, #tpu.memory_space<vmem>>) target(%dma_start3A_789 : memref<32x1024xf32, #tpu.memory_space<hbm>>) target_semaphore(%arg10 : memref<!tpu.dma_semaphore, #tpu.memory_space<semaphore_mem>>)
    %dma_wait3A_794 = arith.constant 0 : i32
    %dma_wait3A_795 = arith.constant 0 : i32
    %dma_wait3A_796 = arith.constant 0 : i32
    %dma_wait3A_797 = tpu.memref_slice %arg6[%dma_wait3A_794, %dma_wait3A_795, %dma_wait3A_796] : memref<3x32x1024xf32, #tpu.memory_space<vmem>> -> memref<1x32x1024xf32, #tpu.memory_space<vmem>>
    %dma_wait3A_798 = tpu.memref_squeeze %dma_wait3A_797 : memref<1x32x1024xf32, #tpu.memory_space<vmem>> -> memref<32x1024xf32, #tpu.memory_space<vmem>>
    %dma_wait3A_799 = arith.constant 0 : i32
    %dma_wait3A_800 = tpu.memref_slice %arg4[%add3A_780, %dma_wait3A_799] : memref<16384x1024xf32, #tpu.memory_space<hbm>> -> memref<32x1024xf32, #tpu.memory_space<hbm>>
    %dma_wait3A_801 = arith.constant 0 : i32
    %dma_wait3A_802 = tpu.memref_slice %arg4[%add3A_780, %dma_wait3A_801] : memref<16384x1024xf32, #tpu.memory_space<hbm>> -> memref<32x1024xf32, #tpu.memory_space<hbm>>
    %dma_wait3A_803 = arith.constant 0 : i32
    %dma_wait3A_804 = arith.constant 0 : i32
    %dma_wait3A_805 = tpu.memref_slice %arg6[%dma_wait3A_794, %dma_wait3A_803, %dma_wait3A_804] : memref<3x32x1024xf32, #tpu.memory_space<vmem>> -> memref<1x32x1024xf32, #tpu.memory_space<vmem>>
    %dma_wait3A_806 = tpu.memref_squeeze %dma_wait3A_805 : memref<1x32x1024xf32, #tpu.memory_space<vmem>> -> memref<32x1024xf32, #tpu.memory_space<vmem>>
    tpu.wait_dma2 semaphore(%arg10 : memref<!tpu.dma_semaphore, #tpu.memory_space<semaphore_mem>>) src(%dma_wait3A_806 : memref<32x1024xf32, #tpu.memory_space<vmem>>) dst(%dma_wait3A_802 : memref<32x1024xf32, #tpu.memory_space<hbm>>)
    %dma_wait3A_807 = arith.constant 1 : i32
    %dma_wait3A_808 = arith.constant 0 : i32
    %dma_wait3A_809 = arith.constant 0 : i32
    %dma_wait3A_810 = tpu.memref_slice %arg6[%dma_wait3A_807, %dma_wait3A_808, %dma_wait3A_809] : memref<3x32x1024xf32, #tpu.memory_space<vmem>> -> memref<1x32x1024xf32, #tpu.memory_space<vmem>>
    %dma_wait3A_811 = tpu.memref_squeeze %dma_wait3A_810 : memref<1x32x1024xf32, #tpu.memory_space<vmem>> -> memref<32x1024xf32, #tpu.memory_space<vmem>>
    %dma_wait3A_812 = arith.constant 0 : i32
    %dma_wait3A_813 = tpu.memref_slice %arg4[%add3A_701, %dma_wait3A_812] : memref<16384x1024xf32, #tpu.memory_space<hbm>> -> memref<32x1024xf32, #tpu.memory_space<hbm>>
    %dma_wait3A_814 = arith.constant 0 : i32
    %dma_wait3A_815 = tpu.memref_slice %arg4[%add3A_701, %dma_wait3A_814] : memref<16384x1024xf32, #tpu.memory_space<hbm>> -> memref<32x1024xf32, #tpu.memory_space<hbm>>
    %dma_wait3A_816 = arith.constant 0 : i32
    %dma_wait3A_817 = arith.constant 0 : i32
    %dma_wait3A_818 = tpu.memref_slice %arg6[%dma_wait3A_807, %dma_wait3A_816, %dma_wait3A_817] : memref<3x32x1024xf32, #tpu.memory_space<vmem>> -> memref<1x32x1024xf32, #tpu.memory_space<vmem>>
    %dma_wait3A_819 = tpu.memref_squeeze %dma_wait3A_818 : memref<1x32x1024xf32, #tpu.memory_space<vmem>> -> memref<32x1024xf32, #tpu.memory_space<vmem>>
    tpu.wait_dma2 semaphore(%arg11 : memref<!tpu.dma_semaphore, #tpu.memory_space<semaphore_mem>>) src(%dma_wait3A_819 : memref<32x1024xf32, #tpu.memory_space<vmem>>) dst(%dma_wait3A_815 : memref<32x1024xf32, #tpu.memory_space<hbm>>)
    %dma_wait3A_820 = arith.constant 2 : i32
    %dma_wait3A_821 = arith.constant 0 : i32
    %dma_wait3A_822 = arith.constant 0 : i32
    %dma_wait3A_823 = tpu.memref_slice %arg6[%dma_wait3A_820, %dma_wait3A_821, %dma_wait3A_822] : memref<3x32x1024xf32, #tpu.memory_space<vmem>> -> memref<1x32x1024xf32, #tpu.memory_space<vmem>>
    %dma_wait3A_824 = tpu.memref_squeeze %dma_wait3A_823 : memref<1x32x1024xf32, #tpu.memory_space<vmem>> -> memref<32x1024xf32, #tpu.memory_space<vmem>>
    %dma_wait3A_825 = arith.constant 0 : i32
    %dma_wait3A_826 = tpu.memref_slice %arg4[%add3A_753, %dma_wait3A_825] : memref<16384x1024xf32, #tpu.memory_space<hbm>> -> memref<32x1024xf32, #tpu.memory_space<hbm>>
    %dma_wait3A_827 = arith.constant 0 : i32
    %dma_wait3A_828 = tpu.memref_slice %arg4[%add3A_753, %dma_wait3A_827] : memref<16384x1024xf32, #tpu.memory_space<hbm>> -> memref<32x1024xf32, #tpu.memory_space<hbm>>
    %dma_wait3A_829 = arith.constant 0 : i32
    %dma_wait3A_830 = arith.constant 0 : i32
    %dma_wait3A_831 = tpu.memref_slice %arg6[%dma_wait3A_820, %dma_wait3A_829, %dma_wait3A_830] : memref<3x32x1024xf32, #tpu.memory_space<vmem>> -> memref<1x32x1024xf32, #tpu.memory_space<vmem>>
    %dma_wait3A_832 = tpu.memref_squeeze %dma_wait3A_831 : memref<1x32x1024xf32, #tpu.memory_space<vmem>> -> memref<32x1024xf32, #tpu.memory_space<vmem>>
    tpu.wait_dma2 semaphore(%arg12 : memref<!tpu.dma_semaphore, #tpu.memory_space<semaphore_mem>>) src(%dma_wait3A_832 : memref<32x1024xf32, #tpu.memory_space<vmem>>) dst(%dma_wait3A_828 : memref<32x1024xf32, #tpu.memory_space<hbm>>)
    return
  }
}

module attributes {stable_mosaic.version = 14 : i64} {
  func.func @_mlp_body(%arg0: memref<1000x256xf32, #tpu.memory_space<vmem>>, %arg1: memref<256x1024xf32, #tpu.memory_space<vmem>>, %arg2: memref<1x1024xf32, #tpu.memory_space<vmem>>, %arg3: memref<1024x1024xf32, #tpu.memory_space<vmem>>, %arg4: memref<1x1024xf32, #tpu.memory_space<vmem>>, %arg5: memref<1000x1024xf32, #tpu.memory_space<vmem>>) attributes {dimension_semantics = [], scalar_prefetch = 0 : i64, scratch_operands = 0 : i64, tpu.core_type = #tpu.core_type<tc>} {
    %get3A = arith.constant 0 : index
    %get3A_0 = arith.constant 0 : index
    %get3A_1 = vector.load %arg0[%get3A, %get3A_0] : memref<1000x256xf32, #tpu.memory_space<vmem>>, vector<1000x256xf32>
    %get3A_2 = arith.constant 0 : index
    %get3A_3 = arith.constant 0 : index
    %get3A_4 = vector.load %arg1[%get3A_2, %get3A_3] : memref<256x1024xf32, #tpu.memory_space<vmem>>, vector<256x1024xf32>
    %dot_general3A = arith.constant dense<0.000000e+00> : vector<1000x1024xf32>
    %dot_general3A_5 = tpu.matmul %get3A_1, %get3A_4, %dot_general3A {dimension_numbers = #tpu.dot_dimension_numbers<[1], [0], [0], [1], [0, 0, 1, 1], [], []>, transpose_lhs_hint = false} : vector<1000x256xf32>, vector<256x1024xf32>, vector<1000x1024xf32> -> vector<1000x1024xf32>
    %get3A_6 = arith.constant 0 : index
    %get3A_7 = arith.constant 0 : index
    %get3A_8 = vector.load %arg2[%get3A_6, %get3A_7] : memref<1x1024xf32, #tpu.memory_space<vmem>>, vector<1x1024xf32>
    %add3A = vector.broadcast %get3A_8 : vector<1x1024xf32> to vector<1000x1024xf32>
    %add3A_9 = arith.addf %dot_general3A_5, %add3A : vector<1000x1024xf32>
    %logistic3A = arith.negf %add3A_9 : vector<1000x1024xf32>
    %logistic3A_10 = math.exp %logistic3A : vector<1000x1024xf32>
    %logistic3A_11 = arith.constant 1.000000e+00 : f32
    %logistic3A_12 = vector.broadcast %logistic3A_11 : f32 to vector<1000x1024xf32>
    %logistic3A_13 = arith.addf %logistic3A_12, %logistic3A_10 : vector<1000x1024xf32>
    %logistic3A_14 = arith.divf %logistic3A_12, %logistic3A_13 : vector<1000x1024xf32>
    %mul3A = arith.mulf %add3A_9, %logistic3A_14 : vector<1000x1024xf32>
    %get3A_15 = arith.constant 0 : index
    %get3A_16 = arith.constant 0 : index
    %get3A_17 = vector.load %arg3[%get3A_15, %get3A_16] : memref<1024x1024xf32, #tpu.memory_space<vmem>>, vector<1024x1024xf32>
    %dot_general3A_18 = arith.constant dense<0.000000e+00> : vector<1000x1024xf32>
    %dot_general3A_19 = tpu.matmul %mul3A, %get3A_17, %dot_general3A_18 {dimension_numbers = #tpu.dot_dimension_numbers<[1], [0], [0], [1], [0, 0, 1, 1], [], []>, transpose_lhs_hint = false} : vector<1000x1024xf32>, vector<1024x1024xf32>, vector<1000x1024xf32> -> vector<1000x1024xf32>
    %get3A_20 = arith.constant 0 : index
    %get3A_21 = arith.constant 0 : index
    %get3A_22 = vector.load %arg4[%get3A_20, %get3A_21] : memref<1x1024xf32, #tpu.memory_space<vmem>>, vector<1x1024xf32>
    %add3A_23 = vector.broadcast %get3A_22 : vector<1x1024xf32> to vector<1000x1024xf32>
    %add3A_24 = arith.addf %dot_general3A_19, %add3A_23 : vector<1000x1024xf32>
    %logistic3A_25 = arith.negf %add3A_24 : vector<1000x1024xf32>
    %logistic3A_26 = math.exp %logistic3A_25 : vector<1000x1024xf32>
    %logistic3A_27 = arith.constant 1.000000e+00 : f32
    %logistic3A_28 = vector.broadcast %logistic3A_27 : f32 to vector<1000x1024xf32>
    %logistic3A_29 = arith.addf %logistic3A_28, %logistic3A_26 : vector<1000x1024xf32>
    %logistic3A_30 = arith.divf %logistic3A_28, %logistic3A_29 : vector<1000x1024xf32>
    %mul3A_31 = arith.mulf %add3A_24, %logistic3A_30 : vector<1000x1024xf32>
    %swap3A = arith.constant 0 : index
    %swap3A_32 = arith.constant 0 : index
    %swap3A_33 = vector.load %arg5[%swap3A, %swap3A_32] : memref<1000x1024xf32, #tpu.memory_space<vmem>>, vector<1000x1024xf32>
    tpu.vector_store %arg5[%swap3A, %swap3A_32], %mul3A_31 {strides = array<i32>} : memref<1000x1024xf32, #tpu.memory_space<vmem>>, vector<1000x1024xf32>,
    return
  }
}

</mosaic_0001>

<sc_bundles>
// kernel: kernel.4.cloned.1.call-start
scs
__scs_entry_jumppad:
0x0: {  	(pc) =	sbr.rel $0x88, $3  }
0x1: {  	(tag) =	ssettag $0x0;
	lr =	simm.s32 $0x1  }
0x2: {  	[smem:$0x3F9B] =	sst lr;
	_ =	strace $0xD0000000  }
0x3: {  	_ = 	snop  }
0x4: {  	_ = 	snop  }
0x5: {  	_ = 	snop  }
0x6: {  	_ = 	snop  }
0x7: {  	_ = 	snop  }
__scs_overlays_trampoline_lowered:
0x8: {  	[smem:$0x3FAA] =	sst s0  }
0x9: {  	[smem:$0x3FAB] =	sst s1  }
0xa: {  	[smem:$0x3FAC] =	sst s2  }
0xb: {  	[smem:$0x3FAD] =	sst s3  }
0xc: {  	[smem:$0x3FAE] =	sst s4  }
0xd: {  	[smem:$0x3FAF] =	sst s5  }
0xe: {  	[smem:$0x3FB0] =	sst s6  }
0xf: {  	[smem:$0x3FB1] =	sst s7  }
0x10: {  	[smem:$0x3FB2] =	sst s8  }
0x11: {  	[smem:$0x3FB3] =	sst s9;
	s0 =	simm.s32 @!p0 $0x0  }
0x12: {  	s1 =	sld [smem:$0x3F99];
	s0 =	simm.s32 @p0 $0x1  }
0x13: {  	[smem:$0x3FB4] =	sst s0;
	s0 =	simm.s32 @!p1 $0x0  }
0x14: {  	s2 =	sld [smem:$0x3F98];
	s0 =	simm.s32 @p1 $0x1  }
0x15: {  	[smem:$0x3FB5] =	sst s0;
	s0 =	simm.s32 @!p2 $0x0  }
0x16: {  	s3 =	sld [smem:$0x3FDB];
	s0 =	simm.s32 @p2 $0x1  }
0x17: {  	s4 =	simm.s32 $0x1BF5;
	[smem:$0x3FB7] =	sst s0  }
0x18: {  	s0 =	sld [smem:$0x3F9A];
	_ =	swait.ge [sflag:s4], $0x0  }
0x19: {  	s7 =	sld [smem:$0x3F9B]  }
0x1a: {  	s8 =	sadd.s32 $0xFFFFE003, lr  }
0x1b: {  	s9 =	sadd.s32 $0xFFFFFEF7, lr;
	s5 =	simm.s32 $0xFFFFFFFF;
	p2 =	slt.u32 s8, $0xFFFFF086  }
0x1c: {  	p1 =	slt.u32 s9, $0xF7A;
	s5 =	simm.s32 @!p2 $0x0  }
0x1d: {  	s5 =	simm.s32 @p1 $0x1;
	p0 =	seq.s32 s7, s2  }
0x1e: {  	s7 =	smul.u32 @!p0 $0xF7A, s2;
	p2 =	seq.s32 @!p0 s5, $0x0  }
0x1f: {  	s9 =	smul.u32 $0xF7A, s1;
	s8 =	simm.s32 @!p0 $0x1BF5;
	p2 =	por !p2, p0  }
0x20: {  	[sflag:s8] =	ssyncset.s32 @!p0 $0xFFFFF086;
	s6 =	sadd.s32 @!p0 s3, s7;
	s7 =	simm.s32 @!p0 $0x108  }
0x21: {  	s3 =	sadd.s32 s3, s9;
	s6 =	sadd.s32 @!p0 $0x88, s6;
	s7 =	simm.s32 @p2 $0x1082  }
0x22: {  	[simem:s7], [sflag:s8] =	dma.local @!p0 [hbm:s6], $0xF7A  }
0x23: {  	s9 =	sor.u32 $0xD0000000, s2;
	s6 =	simm.s32 $0x108;
	_ =	swait.ge @!p0 [sflag:s8], $0x0  }
0x24: {  	s3 =	sadd.s32 $0x88, s3;
	s6 =	simm.s32 @!p1 $0x1082;
	[sflag:s4] =	ssyncset.s32 $0xFFFFF086  }
0x25: {  	[simem:s6], [sflag:s4] =	dma.local [hbm:s3], $0xF7A  }
0x26: {  	[smem:$0x3F9B] =	sst s1;
	(tag) =	ssettag s2;
	_ =	strace s9  }
0x27: {  	s1 =	sld [smem:$0x3FAB]  }
0x28: {  	s2 =	sld [smem:$0x3FAC]  }
0x29: {  	s4 =	sld [smem:$0x3FAE]  }
0x2a: {  	p0 =	seq.s32 s5, $0x0;
	s5 =	sld [smem:$0x3FAF]  }
0x2b: {  	s6 =	sld [smem:$0x3FB0]  }
0x2c: {  	s7 =	sld [smem:$0x3FB1]  }
0x2d: {  	s3 =	simm.s32 $0x108;
	s8 =	sld [smem:$0x3FB2]  }
0x2e: {  	s3 =	simm.s32 @!p0 $0x1082;
	s9 =	sld [smem:$0x3FB3]  }
0x2f: {  	lr =	sadd.s32 s0, s3;
	s0 =	sld [smem:$0x3FAA]  }
0x30: {  	s3 =	sld [smem:$0x3FAD]  }
0x31: {  	[smem:$0x3FB6] =	sst s10  }
0x32: {  	s10 =	sld [smem:$0x3FB4];
	_ =	sdelay $0x3  }
0x33: {  	p0 =	seq.s32 s10, $0x1;
	s10 =	sld [smem:$0x3FB6];
	_ =	sdelay $0x3  }
0x34: {  	[smem:$0x3FB6] =	sst s10  }
0x35: {  	s10 =	sld [smem:$0x3FB5];
	_ =	sdelay $0x3  }
0x36: {  	p1 =	seq.s32 s10, $0x1;
	s10 =	sld [smem:$0x3FB6];
	_ =	sdelay $0x3  }
0x37: {  	[smem:$0x3FB6] =	sst s10  }
0x38: {  	s10 =	sld [smem:$0x3FB7]  }
0x39: {  	_ = 	snop;
	(pc) =	sbr.ind lr, $3  }
0x3a: {  	_ = 	snop  }
0x3b: {  	_ = 	snop  }
0x3c: {  	p2 =	seq.s32 s10, $0x1;
	s10 =	sld [smem:$0x3FB6]  }
0x3d: {  	_ =	shalt  }
0x3e: {  	_ =	shalt  }
0x3f: {  	_ =	shalt  }
0x40: {  	_ =	shalt  }
0x41: {  	_ =	shalt  }
0x42: {  	_ =	shalt  }
0x43: {  	_ =	shalt  }
0x44: {  	_ =	shalt  }
0x45: {  	_ =	shalt  }
0x46: {  	_ =	shalt  }
0x47: {  	_ =	shalt  }
0x48: {  	_ =	shalt  }
0x49: {  	_ =	shalt  }
0x4a: {  	_ =	shalt  }
0x4b: {  	_ =	shalt  }
0x4c: {  	_ =	shalt  }
0x4d: {  	_ =	shalt  }
0x4e: {  	_ =	shalt  }
0x4f: {  	_ =	shalt  }
0x50: {  	_ =	shalt  }
0x51: {  	_ =	shalt  }
0x52: {  	_ =	shalt  }
0x53: {  	_ =	shalt  }
0x54: {  	_ =	shalt  }
0x55: {  	_ =	shalt  }
0x56: {  	_ =	shalt  }
0x57: {  	_ =	shalt  }
0x58: {  	_ =	shalt  }
0x59: {  	_ =	shalt  }
0x5a: {  	_ =	shalt  }
0x5b: {  	_ =	shalt  }
0x5c: {  	_ =	shalt  }
0x5d: {  	_ =	shalt  }
0x5e: {  	_ =	shalt  }
0x5f: {  	_ =	shalt  }
0x60: {  	_ =	shalt  }
0x61: {  	_ =	shalt  }
0x62: {  	_ =	shalt  }
0x63: {  	_ =	shalt  }
0x64: {  	_ =	shalt  }
0x65: {  	_ =	shalt  }
0x66: {  	_ =	shalt  }
0x67: {  	_ =	shalt  }
0x68: {  	_ =	shalt  }
0x69: {  	_ =	shalt  }
0x6a: {  	_ =	shalt  }
0x6b: {  	_ =	shalt  }
0x6c: {  	_ =	shalt  }
0x6d: {  	_ =	shalt  }
0x6e: {  	_ =	shalt  }
0x6f: {  	_ =	shalt  }
0x70: {  	_ =	shalt  }
0x71: {  	_ =	shalt  }
0x72: {  	_ =	shalt  }
0x73: {  	_ =	shalt  }
0x74: {  	_ =	shalt  }
0x75: {  	_ =	shalt  }
0x76: {  	_ =	shalt  }
0x77: {  	_ =	shalt  }
0x78: {  	_ =	shalt  }
0x79: {  	_ =	shalt  }
0x7a: {  	_ =	shalt  }
0x7b: {  	_ =	shalt  }
0x7c: {  	_ =	shalt  }
0x7d: {  	_ =	shalt  }
0x7e: {  	_ =	shalt  }
0x7f: {  	_ =	shalt  }
0x80: {  	_ =	shalt  }
0x81: {  	_ =	shalt  }
0x82: {  	_ =	shalt  }
0x83: {  	_ =	shalt  }
0x84: {  	_ =	shalt  }
0x85: {  	_ =	shalt  }
0x86: {  	_ =	shalt  }
0x87: {  	_ =	shalt  }
.Lfunc_end0:
.L_simem_size_0:
called_computation_lowered:
.L_overlay_start_0:
0x88: {  	s2 =	sld [smem:$0x3FD9]  }
0x89: {  	s3 =	sld [smem:$0x3FFE];
	_ =	sdelay $0x1  }
0x8a: {  	s1 =	srdreg.scid  }
0x8b: {  	s0 =	sand.u32 $0x1, s1  }
0x8c: {  	s17 =	sshll.u32 s0, $0xA;
	s2 =	sadd.s32 s3, s2  }
0x8d: {  	s2 =	sadd.s32 s2, s17  }
0x8e: {  	[smem:$0x3FC2] =	sst s2  }
0x8f: {  	_ = 	snop  }
0x90: {  	s2 =	sld [smem:$0x3FD0];
	(tm) =	ssettm $0x1  }
0x91: {  	s18 =	sld [smem:$0x3FFB];
	_ =	sdelay $0x3  }
0x92: {  	_ =	strace s18  }
0x93: {  	s3 =	sld [smem:$0x3FFC];
	_ =	sdelay $0x3  }
0x94: {  	_ =	strace s3  }
0x95: {  	s3 =	sld [smem:$0x3FFD];
	_ =	sdelay $0x3  }
0x96: {  	_ =	strace s3  }
0x97: {  	_ =	strace $0x8FFFFFFF  }
0x98: {  	s19 =	sld [smem:$0x3FDB];
	_ =	sdelay $0x1  }
0x99: {  	s4 =	simm.s32 $_scs_section_size  }
0x9a: {  	s5 =	simm.s32 $_size__tile_overlayer_lowered;
	s6 =	simm.s32 $_tile_overlayer_lowered  }
0x9b: {  	s22 =	simm.s32 $0x1BFF;
	s21 =	sshll.u32 s6, $0x1;
	s3 =	sadd.s32 s4, s19  }
0x9c: {  	s7 =	simm.s32 $0x0;
	s20 =	sshll.u32 s5, $0x1;
	s5 =	sadd.s32 s21, s3  }
0x9d: {  	[timem:s7], [sflag:s22] =	dma.local [hbm:s5], s20  }
0x9e: {  	_ =	swait.ge [sflag:s22], s20  }
0x9f: {  	s4 =	ssub.s32 $0x0, s20;
	[sflag:s22] =	ssyncset.done $0x0  }
0xa0: {  	[sflag:s22] =	ssyncadd.s32 s4;
	_ =	sdelay $0x1  }
0xa1: {  	s23 =	simm.s32 $0x1B8B  }
0xa2: {  	_ =	swait.ge [sflag:s23], $0x1  }
0xa3: {  	[sflag:s23] =	ssyncset.done $0x0  }
0xa4: {  	s25 =	simm.s32 $0x1B8E;
	s24 =	sld [smem:$0x3FFE];
	[sflag:s23] =	ssyncadd.s32 $0xFFFFFFFF  }
0xa5: {  	s26 =	simm.s32 $execute0_lowered;
	[smem:$0x3FD2] =	sst s25  }
0xa6: {  	s5 =	sshll.u32 s26, $0x1;
	_ =	strace $0x80000046;
	[dreg:$0x1] =	wrdreg $0xFFFFFFFF  }
0xa7: {  	s28 =	simm.s32 $_size_execute0_lowered;
	s3 =	sadd.s32 s3, s5;
	[dreg:$0x0] =	wrdreg $0x0  }
0xa8: {  	s5 =	sshll.u32 s28, $0x1;
	[dreg:$0x2] =	wrdreg s3  }
0xa9: {  	[dreg:$0x3] =	wrdreg s5  }
0xaa: {  	[dreg:$0x4] =	wrdreg $0xC0  }
0xab: {  	_ =	task [dreg:s7], $0x5FFFF  }
0xac: {  	[dreg:$0x1] =	wrdreg $0xFFFFFFFF  }
0xad: {  	[dreg:$0x0] =	wrdreg $0x60  }
0xae: {  	[dreg:$0x2] =	wrdreg s24  }
0xaf: {  	[dreg:$0x3] =	wrdreg s2  }
0xb0: {  	[dreg:$0x4] =	wrdreg $0x9  }
0xb1: {  	_ =	task.clear_ibuf [dreg:s7], $0x5FFFF;
	_ =	strace $0x90000046  }
0xb2: {  	s29 =	simm.s32 $0x9;
	_ =	strace $0x80000048  }
0xb3: {  	_ =	swait.ge [sflag:s29], $0x1  }
0xb4: {  	[sflag:s29] =	ssyncadd.s32 $0xFFFFFFFF  }
0xb5: {  	_ =	strace $0x90000048  }
0xb6: {  	_ =	sfence  }
0xb7: {  	s30 =	sld [smem:$0x0];
	_ =	sdelay $0x2  }
0xb8: {  	s31 =	sshll.u32 s1, $0xD;
	s1 =	sshrl.u32 s1, $0x2  }
0xb9: {  	s3 =	sand.u32 $0x4000, s31;
	s1 =	sadd.s32 s1, s30  }
0xba: {  	s0 =	sor.u32 s3, s0;
	s1 =	sshll.u32 s1, $0x11  }
0xbb: {  	s0 =	sor.u32 s1, s0  }
0xbc: {  	s0 =	sadd.s32 $0x8F2B, s0  }
0xbd: {  	[sflag:s0] =	ssyncadd.remote.s32 $0x1  }
0xbe: {  	_ =	sfence.sel $0xFFFF  }
0xbf: {  	[dreg:$0x0] =	wrdreg $0xFFFFFFFF;
	(pc) =	sbr.abs _section_cstart, $3  }
0xc0: {  	[dreg:$0x1] =	wrdreg $0xFFFFFFFF  }
0xc1: {  	_ =	task.clear_ibuf [dreg:s7], $0x2FFFF;
	_ =	strace $0x9FFFFFFF  }
0xc2: {  	(tm) =	ssettm $0x7FFFFFFF  }
0xc3: {  	_ =	shalt  }
tec
execute0_lowered:
.L_overlay_start_1:
0x0: {  	(tag) =	ssettag $0x1  }
0x1: {  	s0 =	srdreg.scid;
	s2 =	stileid.u32  }
0x2: {  	s1 =	rddreg [dreg:$0x0];
	s0 =	sand.u32 $0x1, s0;
	s2 =	sshll.u32 s2, $0x1  }
0x3: {  	s3 =	rddreg [dreg:$0x1];
	s4 =	sor.u32 s0, s2  }
0x4: {  	s2 =	simm.s32 $0x0;
	s5 =	sshll.u32 s4, $0x8;
	s4 =	sshll.u32 s4, $0x10  }
0x5: {  	[smem:$0x7FF] =	sst s2;
	s5 =	sadd.s32 s5, s1;
	s8 =	sadd.s32 s3, s4  }
0x6: {  	_ =	strace $0x80000047;
	s5 =	sadd.s32 $0x1000, s5;
	[dreg:$0x13] =	wrdreg s8  }
0x7: {  	s3 =	sadd.s32 $0x1000, s8;
	[dreg:$0x3] =	wrdreg s5  }
0x8: {  	s14 =	sadd.s32 $0x2000, s8;
	[dreg:$0x4] =	wrdreg s3  }
0x9: {  	s15 =	sadd.s32 $0x3000, s8;
	[dreg:$0x5] =	wrdreg s14  }
0xa: {  	s16 =	sadd.s32 $0x4000, s8;
	[dreg:$0x6] =	wrdreg s15  }
0xb: {  	s17 =	sadd.s32 $0x5000, s8;
	[dreg:$0x7] =	wrdreg s16  }
0xc: {  	s18 =	sadd.s32 $0x6000, s8;
	[dreg:$0x8] =	wrdreg s17  }
0xd: {  	s29 =	simm.s32 $0x1;
	s19 =	sadd.s32 $0x7000, s8;
	[dreg:$0x9] =	wrdreg s18  }
0xe: {  	s31 =	simm.s32 $0x4;
	s20 =	sadd.s32 $0x8000, s8;
	[dreg:$0xa] =	wrdreg s19  }
0xf: {  	s6 =	sadd.s32 $0x3200, s1;
	s21 =	sadd.s32 $0x9000, s8;
	[dreg:$0xb] =	wrdreg s20  }
0x10: {  	s7 =	sadd.s32 $0x3300, s1;
	s22 =	sadd.s32 $0xA000, s8;
	[dreg:$0xc] =	wrdreg s21  }
0x11: {  	s0 =	ssub.s32 $0x2, s0;
	s24 =	sadd.s32 $0xB000, s8;
	[dreg:$0xd] =	wrdreg s22  }
0x12: {  	s23 =	sshrl.u32 s0, $0x1;
	s25 =	sadd.s32 $0xC000, s8;
	[dreg:$0xe] =	wrdreg s24  }
0x13: {  	s4 =	sadd.s32 $0x3000, s1;
	s26 =	sadd.s32 $0xD000, s8;
	[dreg:$0xf] =	wrdreg s25  }
0x14: {  	s0 =	ssub.s32 s0, s23;
	s28 =	sadd.s32 $0xE000, s8;
	[dreg:$0x10] =	wrdreg s26  }
0x15: {  	v2 =	vlaneseq.u32;
	s30 =	sadd.s32 $0xF000, s8;
	s8 =	smax.u32 s0, $0x1;
	[dreg:$0x11] =	wrdreg s28  }
0x16: {  	vm0 =	vmmov $0xffff;
	v1 =	vshrl.u32 v2, $0x3;
	s0 =	simm.s32 $0x5;
	s5 =	sadd.s32 $0x3100, s1;
	[dreg:$0x12] =	wrdreg s30  }
0x17: {  	v0 =	vand.u32 $0x7, v2;
	v2 =	vor.u32 $0x8, v2;
	v1 =	vmul.u32 $0x8, v1;
	s14 =	simm.s32 $0x2;
	s1 =	simm.s32 $0x3;
	s3 =	simm.s32 $0x6  }
.LBB2_1:
0x18: {  	[dreg:$0x14] =	wrdreg s8  }
0x19: {  	s28 =	rddreg [dreg:$0x3];
	s21 =	simm.s32 $0x7  }
0x1a: {  	[tilespmem:s2], [sflag:$0x7] =	stream.linear.gather [hbm4b:s28+s2], $0x800, $0x38;
	[tilespmem:$0x18800] =	vst v63  }
0x1b: {  	_ =	swait.ge [sflag:s21], $0x800  }
0x1c: {  	[sflag:s21] =	ssyncset.done $0x0  }
0x1d: {  	[sflag:s21] =	ssyncadd.s32 $0xFFFFF800  }
0x1e: {  	v3 =	vld [tilespmem:$0x0];
	_ =	sdelay $0x4  }
0x1f: {  	v4 =	vshll.u32 v3, $0x3  }
0x20: {  	v3 =	vand.u32 $0x7, v3;
	v4 =	vand.u32 $0xFFFFFFC0, v4  }
0x21: {  	v3 =	vor.u32 v3, v4  }
0x22: {  	v4 =	vperm.xlane v3, v0;
	_ =	sdelay $0x1  }
0x23: {  	v4 =	vadd.s32 v1, v4;
	_ =	sdelay $0x3  }
0x24: {  	s22 =	simm.s32 $0x800  }
0x25: {  	[tilespmem:s22], [sflag:$0x1] =	stream.indirect_vreg.gather [hbm4b:s4+s2], $0x80, v4, vm0, $0xb8;
	[tilespmem:$0x18800] =	vst v63  }
0x26: {  	s11 =	simm.s32 $0x1000;
	v3 =	vperm.xlane v3, v2  }
0x27: {  	[tilespmem:s11], [sflag:$0x1] =	stream.indirect_vreg.gather [hbm4b:s5+s2], $0x80, v4, vm0, $0xb8;
	[tilespmem:$0x18800] =	vst v63  }
0x28: {  	s23 =	simm.s32 $0x1800;
	v3 =	vadd.s32 v1, v3  }
0x29: {  	[tilespmem:s23], [sflag:$0x1] =	stream.indirect_vreg.gather [hbm4b:s6+s2], $0x80, v4, vm0, $0xb8;
	[tilespmem:$0x18800] =	vst v63  }
0x2a: {  	s24 =	simm.s32 $0x2000  }
0x2b: {  	[tilespmem:s24], [sflag:$0x1] =	stream.indirect_vreg.gather [hbm4b:s7+s2], $0x80, v4, vm0, $0xb8;
	[tilespmem:$0x18800] =	vst v63  }
0x2c: {  	s25 =	simm.s32 $0x2800  }
0x2d: {  	[tilespmem:s25], [sflag:$0x1] =	stream.indirect_vreg.gather [hbm4b:s4+s2], $0x80, v3, vm0, $0xb8;
	[tilespmem:$0x18800] =	vst v63  }
0x2e: {  	s26 =	simm.s32 $0x3000  }
0x2f: {  	[tilespmem:s26], [sflag:$0x1] =	stream.indirect_vreg.gather [hbm4b:s5+s2], $0x80, v3, vm0, $0xb8;
	[tilespmem:$0x18800] =	vst v63  }
0x30: {  	s28 =	simm.s32 $0x3800  }
0x31: {  	[tilespmem:s28], [sflag:$0x1] =	stream.indirect_vreg.gather [hbm4b:s6+s2], $0x80, v3, vm0, $0xb8;
	[tilespmem:$0x18800] =	vst v63  }
0x32: {  	s30 =	simm.s32 $0x4000  }
0x33: {  	[tilespmem:s30], [sflag:$0x1] =	stream.indirect_vreg.gather [hbm4b:s7+s2], $0x80, v3, vm0, $0xb8;
	[tilespmem:$0x18800] =	vst v63  }
0x34: {  	v3 =	vld [tilespmem:$0x10];
	_ =	sdelay $0x4  }
0x35: {  	v33 =	vshll.u32 v3, $0x3  }
0x36: {  	v3 =	vand.u32 $0x7, v3;
	v4 =	vand.u32 $0xFFFFFFC0, v33  }
0x37: {  	v3 =	vor.u32 v3, v4  }
0x38: {  	v4 =	vperm.xlane v3, v0;
	_ =	sdelay $0x1  }
0x39: {  	v4 =	vadd.s32 v1, v4;
	_ =	sdelay $0x3  }
0x3a: {  	s8 =	simm.s32 $0x4800  }
0x3b: {  	[tilespmem:s8], [sflag:$0x1] =	stream.indirect_vreg.gather [hbm4b:s4+s2], $0x80, v4, vm0, $0xb8;
	[tilespmem:$0x18800] =	vst v63  }
0x3c: {  	s9 =	simm.s32 $0x5000;
	v3 =	vperm.xlane v3, v2  }
0x3d: {  	[tilespmem:s9], [sflag:$0x1] =	stream.indirect_vreg.gather [hbm4b:s5+s2], $0x80, v4, vm0, $0xb8;
	[tilespmem:$0x18800] =	vst v63  }
0x3e: {  	s10 =	simm.s32 $0x5800;
	v3 =	vadd.s32 v1, v3  }
0x3f: {  	[tilespmem:s10], [sflag:$0x1] =	stream.indirect_vreg.gather [hbm4b:s6+s2], $0x80, v4, vm0, $0xb8;
	[tilespmem:$0x18800] =	vst v63  }
0x40: {  	s13 =	simm.s32 $0x6000  }
0x41: {  	[tilespmem:s13], [sflag:$0x1] =	stream.indirect_vreg.gather [hbm4b:s7+s2], $0x80, v4, vm0, $0xb8;
	[tilespmem:$0x18800] =	vst v63  }
0x42: {  	s15 =	simm.s32 $0x6800  }
0x43: {  	[tilespmem:s15], [sflag:$0x1] =	stream.indirect_vreg.gather [hbm4b:s4+s2], $0x80, v3, vm0, $0xb8;
	[tilespmem:$0x18800] =	vst v63  }
0x44: {  	s19 =	simm.s32 $0x7000  }
0x45: {  	[tilespmem:s19], [sflag:$0x1] =	stream.indirect_vreg.gather [hbm4b:s5+s2], $0x80, v3, vm0, $0xb8;
	[tilespmem:$0x18800] =	vst v63  }
0x46: {  	s20 =	simm.s32 $0x7800  }
0x47: {  	[tilespmem:s20], [sflag:$0x1] =	stream.indirect_vreg.gather [hbm4b:s6+s2], $0x80, v3, vm0, $0xb8;
	[tilespmem:$0x18800] =	vst v63  }
0x48: {  	s21 =	simm.s32 $0x8000  }
0x49: {  	[tilespmem:s21], [sflag:$0x1] =	stream.indirect_vreg.gather [hbm4b:s7+s2], $0x80, v3, vm0, $0xb8;
	[tilespmem:$0x18800] =	vst v63  }
0x4a: {  	v3 =	vld [tilespmem:$0x80];
	_ =	sdelay $0x4  }
0x4b: {  	v34 =	vshll.u32 v3, $0x3  }
0x4c: {  	v3 =	vand.u32 $0x7, v3;
	v4 =	vand.u32 $0xFFFFFFC0, v34  }
0x4d: {  	v3 =	vor.u32 v3, v4  }
0x4e: {  	v4 =	vperm.xlane v3, v0;
	_ =	sdelay $0x1  }
0x4f: {  	v4 =	vadd.s32 v1, v4;
	_ =	sdelay $0x3  }
0x50: {  	s22 =	simm.s32 $0x8800  }
0x51: {  	[tilespmem:s22], [sflag:$0x2] =	stream.indirect_vreg.gather [hbm4b:s4+s2], $0x80, v4, vm0, $0xb8;
	[tilespmem:$0x18800] =	vst v63  }
0x52: {  	s23 =	simm.s32 $0x9000;
	v3 =	vperm.xlane v3, v2  }
0x53: {  	[tilespmem:s23], [sflag:$0x2] =	stream.indirect_vreg.gather [hbm4b:s5+s2], $0x80, v4, vm0, $0xb8;
	[tilespmem:$0x18800] =	vst v63  }
0x54: {  	s24 =	simm.s32 $0x9800;
	v3 =	vadd.s32 v1, v3  }
0x55: {  	[tilespmem:s24], [sflag:$0x2] =	stream.indirect_vreg.gather [hbm4b:s6+s2], $0x80, v4, vm0, $0xb8;
	[tilespmem:$0x18800] =	vst v63  }
0x56: {  	s25 =	simm.s32 $0xA000  }
0x57: {  	[tilespmem:s25], [sflag:$0x2] =	stream.indirect_vreg.gather [hbm4b:s7+s2], $0x80, v4, vm0, $0xb8;
	[tilespmem:$0x18800] =	vst v63  }
0x58: {  	s26 =	simm.s32 $0xA800  }
0x59: {  	[tilespmem:s26], [sflag:$0x2] =	stream.indirect_vreg.gather [hbm4b:s4+s2], $0x80, v3, vm0, $0xb8;
	[tilespmem:$0x18800] =	vst v63  }
0x5a: {  	s28 =	simm.s32 $0xB000  }
0x5b: {  	[tilespmem:s28], [sflag:$0x2] =	stream.indirect_vreg.gather [hbm4b:s5+s2], $0x80, v3, vm0, $0xb8;
	[tilespmem:$0x18800] =	vst v63  }
0x5c: {  	s30 =	simm.s32 $0xB800  }
0x5d: {  	[tilespmem:s30], [sflag:$0x2] =	stream.indirect_vreg.gather [hbm4b:s6+s2], $0x80, v3, vm0, $0xb8;
	[tilespmem:$0x18800] =	vst v63  }
0x5e: {  	s9 =	simm.s32 $0xC000  }
0x5f: {  	[tilespmem:s9], [sflag:$0x2] =	stream.indirect_vreg.gather [hbm4b:s7+s2], $0x80, v3, vm0, $0xb8;
	[tilespmem:$0x18800] =	vst v63  }
0x60: {  	v3 =	vld [tilespmem:$0x90];
	_ =	sdelay $0x4  }
0x61: {  	v35 =	vshll.u32 v3, $0x3  }
0x62: {  	v3 =	vand.u32 $0x7, v3;
	v4 =	vand.u32 $0xFFFFFFC0, v35  }
0x63: {  	v3 =	vor.u32 v3, v4  }
0x64: {  	v4 =	vperm.xlane v3, v0;
	_ =	sdelay $0x1  }
0x65: {  	v4 =	vadd.s32 v1, v4;
	_ =	sdelay $0x3  }
0x66: {  	s10 =	simm.s32 $0xC800  }
0x67: {  	[tilespmem:s10], [sflag:$0x2] =	stream.indirect_vreg.gather [hbm4b:s4+s2], $0x80, v4, vm0, $0xb8;
	[tilespmem:$0x18800] =	vst v63  }
0x68: {  	s11 =	simm.s32 $0xD000;
	v3 =	vperm.xlane v3, v2  }
0x69: {  	[tilespmem:s11], [sflag:$0x2] =	stream.indirect_vreg.gather [hbm4b:s5+s2], $0x80, v4, vm0, $0xb8;
	[tilespmem:$0x18800] =	vst v63  }
0x6a: {  	s13 =	simm.s32 $0xD800;
	v3 =	vadd.s32 v1, v3  }
0x6b: {  	[tilespmem:s13], [sflag:$0x2] =	stream.indirect_vreg.gather [hbm4b:s6+s2], $0x80, v4, vm0, $0xb8;
	[tilespmem:$0x18800] =	vst v63  }
0x6c: {  	s15 =	simm.s32 $0xE000  }
0x6d: {  	[tilespmem:s15], [sflag:$0x2] =	stream.indirect_vreg.gather [hbm4b:s7+s2], $0x80, v4, vm0, $0xb8;
	[tilespmem:$0x18800] =	vst v63  }
0x6e: {  	s19 =	simm.s32 $0xE800  }
0x6f: {  	[tilespmem:s19], [sflag:$0x2] =	stream.indirect_vreg.gather [hbm4b:s4+s2], $0x80, v3, vm0, $0xb8;
	[tilespmem:$0x18800] =	vst v63  }
0x70: {  	s20 =	simm.s32 $0xF000  }
0x71: {  	[tilespmem:s20], [sflag:$0x2] =	stream.indirect_vreg.gather [hbm4b:s5+s2], $0x80, v3, vm0, $0xb8;
	[tilespmem:$0x18800] =	vst v63  }
0x72: {  	s26 =	simm.s32 $0xF800  }
0x73: {  	[tilespmem:s26], [sflag:$0x2] =	stream.indirect_vreg.gather [hbm4b:s6+s2], $0x80, v3, vm0, $0xb8;
	[tilespmem:$0x18800] =	vst v63  }
0x74: {  	s28 =	simm.s32 $0x10000  }
0x75: {  	[tilespmem:s28], [sflag:$0x2] =	stream.indirect_vreg.gather [hbm4b:s7+s2], $0x80, v3, vm0, $0xb8;
	[tilespmem:$0x18800] =	vst v63  }
0x76: {  	v3 =	vld [tilespmem:$0x100];
	_ =	sdelay $0x4  }
0x77: {  	v36 =	vshll.u32 v3, $0x3  }
0x78: {  	v3 =	vand.u32 $0x7, v3;
	v4 =	vand.u32 $0xFFFFFFC0, v36  }
0x79: {  	v3 =	vor.u32 v3, v4  }
0x7a: {  	v4 =	vperm.xlane v3, v0;
	_ =	sdelay $0x1  }
0x7b: {  	v4 =	vadd.s32 v1, v4;
	_ =	sdelay $0x3  }
0x7c: {  	s30 =	simm.s32 $0x10800  }
0x7d: {  	[tilespmem:s30], [sflag:$0x3] =	stream.indirect_vreg.gather [hbm4b:s4+s2], $0x80, v4, vm0, $0xb8;
	[tilespmem:$0x18800] =	vst v63  }
0x7e: {  	s13 =	simm.s32 $0x11000;
	v3 =	vperm.xlane v3, v2  }
0x7f: {  	[tilespmem:s13], [sflag:$0x3] =	stream.indirect_vreg.gather [hbm4b:s5+s2], $0x80, v4, vm0, $0xb8;
	[tilespmem:$0x18800] =	vst v63  }
0x80: {  	s8 =	simm.s32 $0x11800;
	v3 =	vadd.s32 v1, v3  }
0x81: {  	[tilespmem:s8], [sflag:$0x3] =	stream.indirect_vreg.gather [hbm4b:s6+s2], $0x80, v4, vm0, $0xb8;
	[tilespmem:$0x18800] =	vst v63  }
0x82: {  	s9 =	simm.s32 $0x12000  }
0x83: {  	[tilespmem:s9], [sflag:$0x3] =	stream.indirect_vreg.gather [hbm4b:s7+s2], $0x80, v4, vm0, $0xb8;
	[tilespmem:$0x18800] =	vst v63  }
0x84: {  	s10 =	simm.s32 $0x12800  }
0x85: {  	[tilespmem:s10], [sflag:$0x3] =	stream.indirect_vreg.gather [hbm4b:s4+s2], $0x80, v3, vm0, $0xb8;
	[tilespmem:$0x18800] =	vst v63  }
0x86: {  	s11 =	simm.s32 $0x13000  }
0x87: {  	[tilespmem:s11], [sflag:$0x3] =	stream.indirect_vreg.gather [hbm4b:s5+s2], $0x80, v3, vm0, $0xb8;
	[tilespmem:$0x18800] =	vst v63  }
0x88: {  	s15 =	simm.s32 $0x13800  }
0x89: {  	[tilespmem:s15], [sflag:$0x3] =	stream.indirect_vreg.gather [hbm4b:s6+s2], $0x80, v3, vm0, $0xb8;
	[tilespmem:$0x18800] =	vst v63  }
0x8a: {  	s19 =	simm.s32 $0x14000  }
0x8b: {  	[tilespmem:s19], [sflag:$0x3] =	stream.indirect_vreg.gather [hbm4b:s7+s2], $0x80, v3, vm0, $0xb8;
	[tilespmem:$0x18800] =	vst v63  }
0x8c: {  	v3 =	vld [tilespmem:$0x110];
	_ =	sdelay $0x4  }
0x8d: {  	v37 =	vshll.u32 v3, $0x3  }
0x8e: {  	v3 =	vand.u32 $0x7, v3;
	v4 =	vand.u32 $0xFFFFFFC0, v37  }
0x8f: {  	v3 =	vor.u32 v3, v4  }
0x90: {  	v4 =	vperm.xlane v3, v0;
	_ =	sdelay $0x1  }
0x91: {  	v4 =	vadd.s32 v1, v4;
	_ =	sdelay $0x3  }
0x92: {  	s20 =	simm.s32 $0x14800  }
0x93: {  	[tilespmem:s20], [sflag:$0x3] =	stream.indirect_vreg.gather [hbm4b:s4+s2], $0x80, v4, vm0, $0xb8;
	[tilespmem:$0x18800] =	vst v63  }
0x94: {  	s26 =	simm.s32 $0x15000;
	v3 =	vperm.xlane v3, v2  }
0x95: {  	[tilespmem:s26], [sflag:$0x3] =	stream.indirect_vreg.gather [hbm4b:s5+s2], $0x80, v4, vm0, $0xb8;
	[tilespmem:$0x18800] =	vst v63  }
0x96: {  	s28 =	simm.s32 $0x15800;
	v3 =	vadd.s32 v1, v3  }
0x97: {  	[tilespmem:s28], [sflag:$0x3] =	stream.indirect_vreg.gather [hbm4b:s6+s2], $0x80, v4, vm0, $0xb8;
	[tilespmem:$0x18800] =	vst v63  }
0x98: {  	s8 =	simm.s32 $0x16000  }
0x99: {  	[tilespmem:s8], [sflag:$0x3] =	stream.indirect_vreg.gather [hbm4b:s7+s2], $0x80, v4, vm0, $0xb8;
	[tilespmem:$0x18800] =	vst v63  }
0x9a: {  	s9 =	simm.s32 $0x16800  }
0x9b: {  	[tilespmem:s9], [sflag:$0x3] =	stream.indirect_vreg.gather [hbm4b:s4+s2], $0x80, v3, vm0, $0xb8;
	[tilespmem:$0x18800] =	vst v63  }
0x9c: {  	s10 =	simm.s32 $0x17000  }
0x9d: {  	[tilespmem:s10], [sflag:$0x3] =	stream.indirect_vreg.gather [hbm4b:s5+s2], $0x80, v3, vm0, $0xb8;
	[tilespmem:$0x18800] =	vst v63  }
0x9e: {  	s11 =	simm.s32 $0x17800  }
0x9f: {  	[tilespmem:s11], [sflag:$0x3] =	stream.indirect_vreg.gather [hbm4b:s6+s2], $0x80, v3, vm0, $0xb8;
	[tilespmem:$0x18800] =	vst v63  }
0xa0: {  	s15 =	simm.s32 $0x18000  }
0xa1: {  	[tilespmem:s15], [sflag:$0x3] =	stream.indirect_vreg.gather [hbm4b:s7+s2], $0x80, v3, vm0, $0xb8;
	[tilespmem:$0x18800] =	vst v63  }
0xa2: {  	_ =	swait.ge [sflag:s29], $0x8000  }
0xa3: {  	[sflag:s29] =	ssyncset.done $0x0  }
0xa4: {  	s20 =	simm.s32 $0x800;
	s19 =	rddreg [dreg:$0x13];
	[sflag:s29] =	ssyncadd.s32 $0xFFFF8000  }
0xa5: {  	[hbm4b:s19+s2] =	stream.linear.scatter [tilespmem:s20], [sflag:$0x4], $0x8000, $0x38;
	[tilespmem:$0x18800] =	vst v63  }
0xa6: {  	_ =	swait.ge [sflag:s14], $0x8000  }
0xa7: {  	[sflag:s14] =	ssyncset.done $0x0  }
0xa8: {  	s10 =	simm.s32 $0x8800;
	s26 =	rddreg [dreg:$0x4];
	[sflag:s14] =	ssyncadd.s32 $0xFFFF8000  }
0xa9: {  	[hbm4b:s26+s2] =	stream.linear.scatter [tilespmem:s10], [sflag:$0x5], $0x8000, $0x38;
	[tilespmem:$0x18800] =	vst v63  }
0xaa: {  	_ =	swait.ge [sflag:s31], $0x8000  }
0xab: {  	[sflag:s31] =	ssyncset.done $0x0  }
0xac: {  	[sflag:s31] =	ssyncadd.s32 $0xFFFF8000  }
0xad: {  	v3 =	vld [tilespmem:$0x180];
	_ =	sdelay $0x4  }
0xae: {  	v38 =	vshll.u32 v3, $0x3  }
0xaf: {  	v3 =	vand.u32 $0x7, v3;
	v4 =	vand.u32 $0xFFFFFFC0, v38  }
0xb0: {  	v3 =	vor.u32 v3, v4  }
0xb1: {  	v4 =	vperm.xlane v3, v0;
	_ =	sdelay $0x1  }
0xb2: {  	v4 =	vadd.s32 v1, v4;
	_ =	sdelay $0x4  }
0xb3: {  	[tilespmem:s20], [sflag:$0x1] =	stream.indirect_vreg.gather [hbm4b:s4+s2], $0x80, v4, vm0, $0xb8;
	[tilespmem:$0x18800] =	vst v63  }
0xb4: {  	s12 =	simm.s32 $0x1000;
	v3 =	vperm.xlane v3, v2  }
0xb5: {  	[tilespmem:s12], [sflag:$0x1] =	stream.indirect_vreg.gather [hbm4b:s5+s2], $0x80, v4, vm0, $0xb8;
	[tilespmem:$0x18800] =	vst v63  }
0xb6: {  	s26 =	simm.s32 $0x1800;
	v3 =	vadd.s32 v1, v3  }
0xb7: {  	[tilespmem:s26], [sflag:$0x1] =	stream.indirect_vreg.gather [hbm4b:s6+s2], $0x80, v4, vm0, $0xb8;
	[tilespmem:$0x18800] =	vst v63  }
0xb8: {  	s11 =	simm.s32 $0x2000  }
0xb9: {  	[tilespmem:s11], [sflag:$0x1] =	stream.indirect_vreg.gather [hbm4b:s7+s2], $0x80, v4, vm0, $0xb8;
	[tilespmem:$0x18800] =	vst v63  }
0xba: {  	s13 =	simm.s32 $0x2800  }
0xbb: {  	[tilespmem:s13], [sflag:$0x1] =	stream.indirect_vreg.gather [hbm4b:s4+s2], $0x80, v3, vm0, $0xb8;
	[tilespmem:$0x18800] =	vst v63  }
0xbc: {  	s28 =	simm.s32 $0x3000  }
0xbd: {  	[tilespmem:s28], [sflag:$0x1] =	stream.indirect_vreg.gather [hbm4b:s5+s2], $0x80, v3, vm0, $0xb8;
	[tilespmem:$0x18800] =	vst v63  }
0xbe: {  	s15 =	simm.s32 $0x3800  }
0xbf: {  	[tilespmem:s15], [sflag:$0x1] =	stream.indirect_vreg.gather [hbm4b:s6+s2], $0x80, v3, vm0, $0xb8;
	[tilespmem:$0x18800] =	vst v63  }
0xc0: {  	s16 =	simm.s32 $0x4000  }
0xc1: {  	[tilespmem:s16], [sflag:$0x1] =	stream.indirect_vreg.gather [hbm4b:s7+s2], $0x80, v3, vm0, $0xb8;
	[tilespmem:$0x18800] =	vst v63  }
0xc2: {  	v3 =	vld [tilespmem:$0x190];
	_ =	sdelay $0x4  }
0xc3: {  	v39 =	vshll.u32 v3, $0x3  }
0xc4: {  	v3 =	vand.u32 $0x7, v3;
	v4 =	vand.u32 $0xFFFFFFC0, v39  }
0xc5: {  	v3 =	vor.u32 v3, v4  }
0xc6: {  	v4 =	vperm.xlane v3, v0;
	_ =	sdelay $0x1  }
0xc7: {  	v4 =	vadd.s32 v1, v4;
	_ =	sdelay $0x3  }
0xc8: {  	s17 =	simm.s32 $0x4800  }
0xc9: {  	[tilespmem:s17], [sflag:$0x1] =	stream.indirect_vreg.gather [hbm4b:s4+s2], $0x80, v4, vm0, $0xb8;
	[tilespmem:$0x18800] =	vst v63  }
0xca: {  	s18 =	simm.s32 $0x5000;
	v3 =	vperm.xlane v3, v2  }
0xcb: {  	[tilespmem:s18], [sflag:$0x1] =	stream.indirect_vreg.gather [hbm4b:s5+s2], $0x80, v4, vm0, $0xb8;
	[tilespmem:$0x18800] =	vst v63  }
0xcc: {  	s16 =	simm.s32 $0x5800;
	v3 =	vadd.s32 v1, v3  }
0xcd: {  	[tilespmem:s16], [sflag:$0x1] =	stream.indirect_vreg.gather [hbm4b:s6+s2], $0x80, v4, vm0, $0xb8;
	[tilespmem:$0x18800] =	vst v63  }
0xce: {  	s17 =	simm.s32 $0x6000  }
0xcf: {  	[tilespmem:s17], [sflag:$0x1] =	stream.indirect_vreg.gather [hbm4b:s7+s2], $0x80, v4, vm0, $0xb8;
	[tilespmem:$0x18800] =	vst v63  }
0xd0: {  	s18 =	simm.s32 $0x6800  }
0xd1: {  	[tilespmem:s18], [sflag:$0x1] =	stream.indirect_vreg.gather [hbm4b:s4+s2], $0x80, v3, vm0, $0xb8;
	[tilespmem:$0x18800] =	vst v63  }
0xd2: {  	s19 =	simm.s32 $0x7000  }
0xd3: {  	[tilespmem:s19], [sflag:$0x1] =	stream.indirect_vreg.gather [hbm4b:s5+s2], $0x80, v3, vm0, $0xb8;
	[tilespmem:$0x18800] =	vst v63  }
0xd4: {  	s20 =	simm.s32 $0x7800  }
0xd5: {  	[tilespmem:s20], [sflag:$0x1] =	stream.indirect_vreg.gather [hbm4b:s6+s2], $0x80, v3, vm0, $0xb8;
	[tilespmem:$0x18800] =	vst v63  }
0xd6: {  	s21 =	simm.s32 $0x8000  }
0xd7: {  	[tilespmem:s21], [sflag:$0x1] =	stream.indirect_vreg.gather [hbm4b:s7+s2], $0x80, v3, vm0, $0xb8;
	[tilespmem:$0x18800] =	vst v63  }
0xd8: {  	_ =	swait.ge [sflag:s1], $0x8000  }
0xd9: {  	[sflag:s1] =	ssyncset.done $0x0  }
0xda: {  	s8 =	simm.s32 $0x10800;
	s12 =	rddreg [dreg:$0x5];
	[sflag:s1] =	ssyncadd.s32 $0xFFFF8000  }
0xdb: {  	[hbm4b:s12+s2] =	stream.linear.scatter [tilespmem:s8], [sflag:$0x6], $0x8000, $0x38;
	[tilespmem:$0x18800] =	vst v63  }
0xdc: {  	_ =	swait.ge [sflag:s0], $0x8000  }
0xdd: {  	[sflag:s0] =	ssyncset.done $0x0  }
0xde: {  	[sflag:s0] =	ssyncadd.s32 $0xFFFF8000  }
0xdf: {  	v3 =	vld [tilespmem:$0x200];
	_ =	sdelay $0x4  }
0xe0: {  	v40 =	vshll.u32 v3, $0x3  }
0xe1: {  	v3 =	vand.u32 $0x7, v3;
	v4 =	vand.u32 $0xFFFFFFC0, v40  }
0xe2: {  	v3 =	vor.u32 v3, v4  }
0xe3: {  	v4 =	vperm.xlane v3, v0;
	_ =	sdelay $0x1  }
0xe4: {  	v4 =	vadd.s32 v1, v4;
	_ =	sdelay $0x4  }
0xe5: {  	[tilespmem:s10], [sflag:$0x2] =	stream.indirect_vreg.gather [hbm4b:s4+s2], $0x80, v4, vm0, $0xb8;
	[tilespmem:$0x18800] =	vst v63  }
0xe6: {  	s21 =	simm.s32 $0x9000;
	v3 =	vperm.xlane v3, v2  }
0xe7: {  	[tilespmem:s21], [sflag:$0x2] =	stream.indirect_vreg.gather [hbm4b:s5+s2], $0x80, v4, vm0, $0xb8;
	[tilespmem:$0x18800] =	vst v63  }
0xe8: {  	s22 =	simm.s32 $0x9800;
	v3 =	vadd.s32 v1, v3  }
0xe9: {  	[tilespmem:s22], [sflag:$0x2] =	stream.indirect_vreg.gather [hbm4b:s6+s2], $0x80, v4, vm0, $0xb8;
	[tilespmem:$0x18800] =	vst v63  }
0xea: {  	s23 =	simm.s32 $0xA000  }
0xeb: {  	[tilespmem:s23], [sflag:$0x2] =	stream.indirect_vreg.gather [hbm4b:s7+s2], $0x80, v4, vm0, $0xb8;
	[tilespmem:$0x18800] =	vst v63  }
0xec: {  	s24 =	simm.s32 $0xA800  }
0xed: {  	[tilespmem:s24], [sflag:$0x2] =	stream.indirect_vreg.gather [hbm4b:s4+s2], $0x80, v3, vm0, $0xb8;
	[tilespmem:$0x18800] =	vst v63  }
0xee: {  	s25 =	simm.s32 $0xB000  }
0xef: {  	[tilespmem:s25], [sflag:$0x2] =	stream.indirect_vreg.gather [hbm4b:s5+s2], $0x80, v3, vm0, $0xb8;
	[tilespmem:$0x18800] =	vst v63  }
0xf0: {  	s12 =	simm.s32 $0xB800  }
0xf1: {  	[tilespmem:s12], [sflag:$0x2] =	stream.indirect_vreg.gather [hbm4b:s6+s2], $0x80, v3, vm0, $0xb8;
	[tilespmem:$0x18800] =	vst v63  }
0xf2: {  	s28 =	simm.s32 $0xC000  }
0xf3: {  	[tilespmem:s28], [sflag:$0x2] =	stream.indirect_vreg.gather [hbm4b:s7+s2], $0x80, v3, vm0, $0xb8;
	[tilespmem:$0x18800] =	vst v63  }
0xf4: {  	v3 =	vld [tilespmem:$0x210];
	_ =	sdelay $0x4  }
0xf5: {  	v41 =	vshll.u32 v3, $0x3  }
0xf6: {  	v3 =	vand.u32 $0x7, v3;
	v4 =	vand.u32 $0xFFFFFFC0, v41  }
0xf7: {  	v3 =	vor.u32 v3, v4  }
0xf8: {  	v4 =	vperm.xlane v3, v0;
	_ =	sdelay $0x1  }
0xf9: {  	v4 =	vadd.s32 v1, v4;
	_ =	sdelay $0x3  }
0xfa: {  	s22 =	simm.s32 $0xC800  }
0xfb: {  	[tilespmem:s22], [sflag:$0x2] =	stream.indirect_vreg.gather [hbm4b:s4+s2], $0x80, v4, vm0, $0xb8;
	[tilespmem:$0x18800] =	vst v63  }
0xfc: {  	s23 =	simm.s32 $0xD000;
	v3 =	vperm.xlane v3, v2  }
0xfd: {  	[tilespmem:s23], [sflag:$0x2] =	stream.indirect_vreg.gather [hbm4b:s5+s2], $0x80, v4, vm0, $0xb8;
	[tilespmem:$0x18800] =	vst v63  }
0xfe: {  	s24 =	simm.s32 $0xD800;
	v3 =	vadd.s32 v1, v3  }
0xff: {  	[tilespmem:s24], [sflag:$0x2] =	stream.indirect_vreg.gather [hbm4b:s6+s2], $0x80, v4, vm0, $0xb8;
	[tilespmem:$0x18800] =	vst v63  }
0x100: {  	s25 =	simm.s32 $0xE000  }
0x101: {  	[tilespmem:s25], [sflag:$0x2] =	stream.indirect_vreg.gather [hbm4b:s7+s2], $0x80, v4, vm0, $0xb8;
	[tilespmem:$0x18800] =	vst v63  }
0x102: {  	s28 =	simm.s32 $0xE800  }
0x103: {  	[tilespmem:s28], [sflag:$0x2] =	stream.indirect_vreg.gather [hbm4b:s4+s2], $0x80, v3, vm0, $0xb8;
	[tilespmem:$0x18800] =	vst v63  }
0x104: {  	s22 =	simm.s32 $0xF000  }
0x105: {  	[tilespmem:s22], [sflag:$0x2] =	stream.indirect_vreg.gather [hbm4b:s5+s2], $0x80, v3, vm0, $0xb8;
	[tilespmem:$0x18800] =	vst v63  }
0x106: {  	s23 =	simm.s32 $0xF800  }
0x107: {  	[tilespmem:s23], [sflag:$0x2] =	stream.indirect_vreg.gather [hbm4b:s6+s2], $0x80, v3, vm0, $0xb8;
	[tilespmem:$0x18800] =	vst v63  }
0x108: {  	s24 =	simm.s32 $0x10000  }
0x109: {  	[tilespmem:s24], [sflag:$0x2] =	stream.indirect_vreg.gather [hbm4b:s7+s2], $0x80, v3, vm0, $0xb8;
	[tilespmem:$0x18800] =	vst v63  }
0x10a: {  	_ =	swait.ge [sflag:s29], $0x8000  }
0x10b: {  	[sflag:s29] =	ssyncset.done $0x0  }
0x10c: {  	s9 =	simm.s32 $0x800;
	s25 =	rddreg [dreg:$0x6];
	[sflag:s29] =	ssyncadd.s32 $0xFFFF8000  }
0x10d: {  	[hbm4b:s25+s2] =	stream.linear.scatter [tilespmem:s9], [sflag:$0x4], $0x8000, $0x38;
	[tilespmem:$0x18800] =	vst v63  }
0x10e: {  	_ =	swait.ge [sflag:s3], $0x8000  }
0x10f: {  	[sflag:s3] =	ssyncset.done $0x0  }
0x110: {  	[sflag:s3] =	ssyncadd.s32 $0xFFFF8000  }
0x111: {  	v3 =	vld [tilespmem:$0x280];
	_ =	sdelay $0x4  }
0x112: {  	v42 =	vshll.u32 v3, $0x3  }
0x113: {  	v3 =	vand.u32 $0x7, v3;
	v4 =	vand.u32 $0xFFFFFFC0, v42  }
0x114: {  	v3 =	vor.u32 v3, v4  }
0x115: {  	v4 =	vperm.xlane v3, v0;
	_ =	sdelay $0x1  }
0x116: {  	v4 =	vadd.s32 v1, v4;
	_ =	sdelay $0x4  }
0x117: {  	[tilespmem:s8], [sflag:$0x3] =	stream.indirect_vreg.gather [hbm4b:s4+s2], $0x80, v4, vm0, $0xb8;
	[tilespmem:$0x18800] =	vst v63  }
0x118: {  	s30 =	simm.s32 $0x11000;
	v3 =	vperm.xlane v3, v2  }
0x119: {  	[tilespmem:s30], [sflag:$0x3] =	stream.indirect_vreg.gather [hbm4b:s5+s2], $0x80, v4, vm0, $0xb8;
	[tilespmem:$0x18800] =	vst v63  }
0x11a: {  	s21 =	simm.s32 $0x11800;
	v3 =	vadd.s32 v1, v3  }
0x11b: {  	[tilespmem:s21], [sflag:$0x3] =	stream.indirect_vreg.gather [hbm4b:s6+s2], $0x80, v4, vm0, $0xb8;
	[tilespmem:$0x18800] =	vst v63  }
0x11c: {  	s22 =	simm.s32 $0x12000  }
0x11d: {  	[tilespmem:s22], [sflag:$0x3] =	stream.indirect_vreg.gather [hbm4b:s7+s2], $0x80, v4, vm0, $0xb8;
	[tilespmem:$0x18800] =	vst v63  }
0x11e: {  	s23 =	simm.s32 $0x12800  }
0x11f: {  	[tilespmem:s23], [sflag:$0x3] =	stream.indirect_vreg.gather [hbm4b:s4+s2], $0x80, v3, vm0, $0xb8;
	[tilespmem:$0x18800] =	vst v63  }
0x120: {  	s24 =	simm.s32 $0x13000  }
0x121: {  	[tilespmem:s24], [sflag:$0x3] =	stream.indirect_vreg.gather [hbm4b:s5+s2], $0x80, v3, vm0, $0xb8;
	[tilespmem:$0x18800] =	vst v63  }
0x122: {  	s25 =	simm.s32 $0x13800  }
0x123: {  	[tilespmem:s25], [sflag:$0x3] =	stream.indirect_vreg.gather [hbm4b:s6+s2], $0x80, v3, vm0, $0xb8;
	[tilespmem:$0x18800] =	vst v63  }
0x124: {  	s30 =	simm.s32 $0x14000  }
0x125: {  	[tilespmem:s30], [sflag:$0x3] =	stream.indirect_vreg.gather [hbm4b:s7+s2], $0x80, v3, vm0, $0xb8;
	[tilespmem:$0x18800] =	vst v63  }
0x126: {  	v3 =	vld [tilespmem:$0x290];
	_ =	sdelay $0x4  }
0x127: {  	v43 =	vshll.u32 v3, $0x3  }
0x128: {  	v3 =	vand.u32 $0x7, v3;
	v4 =	vand.u32 $0xFFFFFFC0, v43  }
0x129: {  	v3 =	vor.u32 v3, v4  }
0x12a: {  	v4 =	vperm.xlane v3, v0;
	_ =	sdelay $0x1  }
0x12b: {  	v4 =	vadd.s32 v1, v4;
	_ =	sdelay $0x3  }
0x12c: {  	s30 =	simm.s32 $0x14800  }
0x12d: {  	[tilespmem:s30], [sflag:$0x3] =	stream.indirect_vreg.gather [hbm4b:s4+s2], $0x80, v4, vm0, $0xb8;
	[tilespmem:$0x18800] =	vst v63  }
0x12e: {  	v3 =	vperm.xlane v3, v2;
	s30 =	simm.s32 $0x15000  }
0x12f: {  	[tilespmem:s30], [sflag:$0x3] =	stream.indirect_vreg.gather [hbm4b:s5+s2], $0x80, v4, vm0, $0xb8;
	[tilespmem:$0x18800] =	vst v63  }
0x130: {  	v3 =	vadd.s32 v1, v3;
	s30 =	simm.s32 $0x15800  }
0x131: {  	[tilespmem:s30], [sflag:$0x3] =	stream.indirect_vreg.gather [hbm4b:s6+s2], $0x80, v4, vm0, $0xb8;
	[tilespmem:$0x18800] =	vst v63  }
0x132: {  	s30 =	simm.s32 $0x16000  }
0x133: {  	[tilespmem:s30], [sflag:$0x3] =	stream.indirect_vreg.gather [hbm4b:s7+s2], $0x80, v4, vm0, $0xb8;
	[tilespmem:$0x18800] =	vst v63  }
0x134: {  	s30 =	simm.s32 $0x16800  }
0x135: {  	[tilespmem:s30], [sflag:$0x3] =	stream.indirect_vreg.gather [hbm4b:s4+s2], $0x80, v3, vm0, $0xb8;
	[tilespmem:$0x18800] =	vst v63  }
0x136: {  	s30 =	simm.s32 $0x17000  }
0x137: {  	[tilespmem:s30], [sflag:$0x3] =	stream.indirect_vreg.gather [hbm4b:s5+s2], $0x80, v3, vm0, $0xb8;
	[tilespmem:$0x18800] =	vst v63  }
0x138: {  	s30 =	simm.s32 $0x17800  }
0x139: {  	[tilespmem:s30], [sflag:$0x3] =	stream.indirect_vreg.gather [hbm4b:s6+s2], $0x80, v3, vm0, $0xb8;
	[tilespmem:$0x18800] =	vst v63  }
0x13a: {  	s30 =	simm.s32 $0x18000  }
0x13b: {  	[tilespmem:s30], [sflag:$0x3] =	stream.indirect_vreg.gather [hbm4b:s7+s2], $0x80, v3, vm0, $0xb8;
	[tilespmem:$0x18800] =	vst v63  }
0x13c: {  	_ =	swait.ge [sflag:s14], $0x8000  }
0x13d: {  	[sflag:s14] =	ssyncset.done $0x0  }
0x13e: {  	s10 =	simm.s32 $0x8800;
	s30 =	rddreg [dreg:$0x7];
	[sflag:s14] =	ssyncadd.s32 $0xFFFF8000  }
0x13f: {  	[hbm4b:s30+s2] =	stream.linear.scatter [tilespmem:s10], [sflag:$0x5], $0x8000, $0x38;
	[tilespmem:$0x18800] =	vst v63  }
0x140: {  	_ =	swait.ge [sflag:s31], $0x8000  }
0x141: {  	[sflag:s31] =	ssyncset.done $0x0  }
0x142: {  	[sflag:s31] =	ssyncadd.s32 $0xFFFF8000  }
0x143: {  	v3 =	vld [tilespmem:$0x300];
	_ =	sdelay $0x4  }
0x144: {  	v44 =	vshll.u32 v3, $0x3  }
0x145: {  	v3 =	vand.u32 $0x7, v3;
	v4 =	vand.u32 $0xFFFFFFC0, v44  }
0x146: {  	v3 =	vor.u32 v3, v4  }
0x147: {  	v4 =	vperm.xlane v3, v0;
	_ =	sdelay $0x1  }
0x148: {  	v4 =	vadd.s32 v1, v4;
	_ =	sdelay $0x3  }
0x149: {  	s9 =	simm.s32 $0x800  }
0x14a: {  	[tilespmem:s9], [sflag:$0x1] =	stream.indirect_vreg.gather [hbm4b:s4+s2], $0x80, v4, vm0, $0xb8;
	[tilespmem:$0x18800] =	vst v63  }
0x14b: {  	s28 =	simm.s32 $0x1000;
	v3 =	vperm.xlane v3, v2  }
0x14c: {  	[tilespmem:s28], [sflag:$0x1] =	stream.indirect_vreg.gather [hbm4b:s5+s2], $0x80, v4, vm0, $0xb8;
	[tilespmem:$0x18800] =	vst v63  }
0x14d: {  	v3 =	vadd.s32 v1, v3  }
0x14e: {  	[tilespmem:s26], [sflag:$0x1] =	stream.indirect_vreg.gather [hbm4b:s6+s2], $0x80, v4, vm0, $0xb8;
	[tilespmem:$0x18800] =	vst v63  }
0x14f: {  	_ = 	snop  }
0x150: {  	[tilespmem:s11], [sflag:$0x1] =	stream.indirect_vreg.gather [hbm4b:s7+s2], $0x80, v4, vm0, $0xb8;
	[tilespmem:$0x18800] =	vst v63  }
0x151: {  	_ = 	snop  }
0x152: {  	[tilespmem:s13], [sflag:$0x1] =	stream.indirect_vreg.gather [hbm4b:s4+s2], $0x80, v3, vm0, $0xb8;
	[tilespmem:$0x18800] =	vst v63  }
0x153: {  	s13 =	simm.s32 $0x3000  }
0x154: {  	[tilespmem:s13], [sflag:$0x1] =	stream.indirect_vreg.gather [hbm4b:s5+s2], $0x80, v3, vm0, $0xb8;
	[tilespmem:$0x18800] =	vst v63  }
0x155: {  	_ = 	snop  }
0x156: {  	[tilespmem:s15], [sflag:$0x1] =	stream.indirect_vreg.gather [hbm4b:s6+s2], $0x80, v3, vm0, $0xb8;
	[tilespmem:$0x18800] =	vst v63  }
0x157: {  	s11 =	simm.s32 $0x4000  }
0x158: {  	[tilespmem:s11], [sflag:$0x1] =	stream.indirect_vreg.gather [hbm4b:s7+s2], $0x80, v3, vm0, $0xb8;
	[tilespmem:$0x18800] =	vst v63  }
0x159: {  	v3 =	vld [tilespmem:$0x310];
	_ =	sdelay $0x4  }
0x15a: {  	v45 =	vshll.u32 v3, $0x3  }
0x15b: {  	v3 =	vand.u32 $0x7, v3;
	v4 =	vand.u32 $0xFFFFFFC0, v45  }
0x15c: {  	v3 =	vor.u32 v3, v4  }
0x15d: {  	v4 =	vperm.xlane v3, v0;
	_ =	sdelay $0x1  }
0x15e: {  	v4 =	vadd.s32 v1, v4;
	_ =	sdelay $0x3  }
0x15f: {  	s10 =	simm.s32 $0x4800  }
0x160: {  	[tilespmem:s10], [sflag:$0x1] =	stream.indirect_vreg.gather [hbm4b:s4+s2], $0x80, v4, vm0, $0xb8;
	[tilespmem:$0x18800] =	vst v63  }
0x161: {  	s13 =	simm.s32 $0x5000;
	v3 =	vperm.xlane v3, v2  }
0x162: {  	[tilespmem:s13], [sflag:$0x1] =	stream.indirect_vreg.gather [hbm4b:s5+s2], $0x80, v4, vm0, $0xb8;
	[tilespmem:$0x18800] =	vst v63  }
0x163: {  	v3 =	vadd.s32 v1, v3  }
0x164: {  	[tilespmem:s16], [sflag:$0x1] =	stream.indirect_vreg.gather [hbm4b:s6+s2], $0x80, v4, vm0, $0xb8;
	[tilespmem:$0x18800] =	vst v63  }
0x165: {  	_ = 	snop  }
0x166: {  	[tilespmem:s17], [sflag:$0x1] =	stream.indirect_vreg.gather [hbm4b:s7+s2], $0x80, v4, vm0, $0xb8;
	[tilespmem:$0x18800] =	vst v63  }
0x167: {  	_ = 	snop  }
0x168: {  	[tilespmem:s18], [sflag:$0x1] =	stream.indirect_vreg.gather [hbm4b:s4+s2], $0x80, v3, vm0, $0xb8;
	[tilespmem:$0x18800] =	vst v63  }
0x169: {  	_ = 	snop  }
0x16a: {  	[tilespmem:s19], [sflag:$0x1] =	stream.indirect_vreg.gather [hbm4b:s5+s2], $0x80, v3, vm0, $0xb8;
	[tilespmem:$0x18800] =	vst v63  }
0x16b: {  	_ = 	snop  }
0x16c: {  	[tilespmem:s20], [sflag:$0x1] =	stream.indirect_vreg.gather [hbm4b:s6+s2], $0x80, v3, vm0, $0xb8;
	[tilespmem:$0x18800] =	vst v63  }
0x16d: {  	s15 =	simm.s32 $0x8000  }
0x16e: {  	[tilespmem:s15], [sflag:$0x1] =	stream.indirect_vreg.gather [hbm4b:s7+s2], $0x80, v3, vm0, $0xb8;
	[tilespmem:$0x18800] =	vst v63  }
0x16f: {  	_ =	swait.ge [sflag:s1], $0x8000  }
0x170: {  	[sflag:s1] =	ssyncset.done $0x0  }
0x171: {  	s8 =	simm.s32 $0x10800;
	s16 =	rddreg [dreg:$0x8];
	[sflag:s1] =	ssyncadd.s32 $0xFFFF8000  }
0x172: {  	[hbm4b:s16+s2] =	stream.linear.scatter [tilespmem:s8], [sflag:$0x6], $0x8000, $0x38;
	[tilespmem:$0x18800] =	vst v63  }
0x173: {  	_ =	swait.ge [sflag:s0], $0x8000  }
0x174: {  	[sflag:s0] =	ssyncset.done $0x0  }
0x175: {  	[sflag:s0] =	ssyncadd.s32 $0xFFFF8000  }
0x176: {  	v3 =	vld [tilespmem:$0x380];
	_ =	sdelay $0x4  }
0x177: {  	v46 =	vshll.u32 v3, $0x3  }
0x178: {  	v3 =	vand.u32 $0x7, v3;
	v4 =	vand.u32 $0xFFFFFFC0, v46  }
0x179: {  	v3 =	vor.u32 v3, v4  }
0x17a: {  	v4 =	vperm.xlane v3, v0;
	_ =	sdelay $0x1  }
0x17b: {  	v4 =	vadd.s32 v1, v4;
	_ =	sdelay $0x3  }
0x17c: {  	s30 =	simm.s32 $0x8800  }
0x17d: {  	[tilespmem:s30], [sflag:$0x2] =	stream.indirect_vreg.gather [hbm4b:s4+s2], $0x80, v4, vm0, $0xb8;
	[tilespmem:$0x18800] =	vst v63  }
0x17e: {  	s17 =	simm.s32 $0x9000;
	v3 =	vperm.xlane v3, v2  }
0x17f: {  	[tilespmem:s17], [sflag:$0x2] =	stream.indirect_vreg.gather [hbm4b:s5+s2], $0x80, v4, vm0, $0xb8;
	[tilespmem:$0x18800] =	vst v63  }
0x180: {  	s8 =	simm.s32 $0x9800;
	v3 =	vadd.s32 v1, v3  }
0x181: {  	[tilespmem:s8], [sflag:$0x2] =	stream.indirect_vreg.gather [hbm4b:s6+s2], $0x80, v4, vm0, $0xb8;
	[tilespmem:$0x18800] =	vst v63  }
0x182: {  	s30 =	simm.s32 $0xA000  }
0x183: {  	[tilespmem:s30], [sflag:$0x2] =	stream.indirect_vreg.gather [hbm4b:s7+s2], $0x80, v4, vm0, $0xb8;
	[tilespmem:$0x18800] =	vst v63  }
0x184: {  	s16 =	simm.s32 $0xA800  }
0x185: {  	[tilespmem:s16], [sflag:$0x2] =	stream.indirect_vreg.gather [hbm4b:s4+s2], $0x80, v3, vm0, $0xb8;
	[tilespmem:$0x18800] =	vst v63  }
0x186: {  	s17 =	simm.s32 $0xB000  }
0x187: {  	[tilespmem:s17], [sflag:$0x2] =	stream.indirect_vreg.gather [hbm4b:s5+s2], $0x80, v3, vm0, $0xb8;
	[tilespmem:$0x18800] =	vst v63  }
0x188: {  	_ = 	snop  }
0x189: {  	[tilespmem:s12], [sflag:$0x2] =	stream.indirect_vreg.gather [hbm4b:s6+s2], $0x80, v3, vm0, $0xb8;
	[tilespmem:$0x18800] =	vst v63  }
0x18a: {  	s28 =	simm.s32 $0xC000  }
0x18b: {  	[tilespmem:s28], [sflag:$0x2] =	stream.indirect_vreg.gather [hbm4b:s7+s2], $0x80, v3, vm0, $0xb8;
	[tilespmem:$0x18800] =	vst v63  }
0x18c: {  	v3 =	vld [tilespmem:$0x390];
	_ =	sdelay $0x4  }
0x18d: {  	v47 =	vshll.u32 v3, $0x3  }
0x18e: {  	v3 =	vand.u32 $0x7, v3;
	v4 =	vand.u32 $0xFFFFFFC0, v47  }
0x18f: {  	v3 =	vor.u32 v3, v4  }
0x190: {  	v4 =	vperm.xlane v3, v0;
	_ =	sdelay $0x1  }
0x191: {  	v4 =	vadd.s32 v1, v4;
	_ =	sdelay $0x3  }
0x192: {  	s28 =	simm.s32 $0xC800  }
0x193: {  	[tilespmem:s28], [sflag:$0x2] =	stream.indirect_vreg.gather [hbm4b:s4+s2], $0x80, v4, vm0, $0xb8;
	[tilespmem:$0x18800] =	vst v63  }
0x194: {  	v3 =	vperm.xlane v3, v2;
	s28 =	simm.s32 $0xD000  }
0x195: {  	[tilespmem:s28], [sflag:$0x2] =	stream.indirect_vreg.gather [hbm4b:s5+s2], $0x80, v4, vm0, $0xb8;
	[tilespmem:$0x18800] =	vst v63  }
0x196: {  	v3 =	vadd.s32 v1, v3;
	s28 =	simm.s32 $0xD800  }
0x197: {  	[tilespmem:s28], [sflag:$0x2] =	stream.indirect_vreg.gather [hbm4b:s6+s2], $0x80, v4, vm0, $0xb8;
	[tilespmem:$0x18800] =	vst v63  }
0x198: {  	s28 =	simm.s32 $0xE000  }
0x199: {  	[tilespmem:s28], [sflag:$0x2] =	stream.indirect_vreg.gather [hbm4b:s7+s2], $0x80, v4, vm0, $0xb8;
	[tilespmem:$0x18800] =	vst v63  }
0x19a: {  	s28 =	simm.s32 $0xE800  }
0x19b: {  	[tilespmem:s28], [sflag:$0x2] =	stream.indirect_vreg.gather [hbm4b:s4+s2], $0x80, v3, vm0, $0xb8;
	[tilespmem:$0x18800] =	vst v63  }
0x19c: {  	s28 =	simm.s32 $0xF000  }
0x19d: {  	[tilespmem:s28], [sflag:$0x2] =	stream.indirect_vreg.gather [hbm4b:s5+s2], $0x80, v3, vm0, $0xb8;
	[tilespmem:$0x18800] =	vst v63  }
0x19e: {  	s28 =	simm.s32 $0xF800  }
0x19f: {  	[tilespmem:s28], [sflag:$0x2] =	stream.indirect_vreg.gather [hbm4b:s6+s2], $0x80, v3, vm0, $0xb8;
	[tilespmem:$0x18800] =	vst v63  }
0x1a0: {  	s28 =	simm.s32 $0x10000  }
0x1a1: {  	[tilespmem:s28], [sflag:$0x2] =	stream.indirect_vreg.gather [hbm4b:s7+s2], $0x80, v3, vm0, $0xb8;
	[tilespmem:$0x18800] =	vst v63  }
0x1a2: {  	_ =	swait.ge [sflag:s29], $0x8000  }
0x1a3: {  	[sflag:s29] =	ssyncset.done $0x0  }
0x1a4: {  	s9 =	simm.s32 $0x800;
	s12 =	rddreg [dreg:$0x9];
	[sflag:s29] =	ssyncadd.s32 $0xFFFF8000  }
0x1a5: {  	[hbm4b:s12+s2] =	stream.linear.scatter [tilespmem:s9], [sflag:$0x4], $0x8000, $0x38;
	[tilespmem:$0x18800] =	vst v63  }
0x1a6: {  	_ =	swait.ge [sflag:s3], $0x8000  }
0x1a7: {  	[sflag:s3] =	ssyncset.done $0x0  }
0x1a8: {  	[sflag:s3] =	ssyncadd.s32 $0xFFFF8000  }
0x1a9: {  	v3 =	vld [tilespmem:$0x400];
	_ =	sdelay $0x4  }
0x1aa: {  	v48 =	vshll.u32 v3, $0x3  }
0x1ab: {  	v3 =	vand.u32 $0x7, v3;
	v4 =	vand.u32 $0xFFFFFFC0, v48  }
0x1ac: {  	v3 =	vor.u32 v3, v4  }
0x1ad: {  	v4 =	vperm.xlane v3, v0;
	_ =	sdelay $0x1  }
0x1ae: {  	v4 =	vadd.s32 v1, v4;
	_ =	sdelay $0x3  }
0x1af: {  	s18 =	simm.s32 $0x10800  }
0x1b0: {  	[tilespmem:s18], [sflag:$0x3] =	stream.indirect_vreg.gather [hbm4b:s4+s2], $0x80, v4, vm0, $0xb8;
	[tilespmem:$0x18800] =	vst v63  }
0x1b1: {  	s28 =	simm.s32 $0x11000;
	v3 =	vperm.xlane v3, v2  }
0x1b2: {  	[tilespmem:s28], [sflag:$0x3] =	stream.indirect_vreg.gather [hbm4b:s5+s2], $0x80, v4, vm0, $0xb8;
	[tilespmem:$0x18800] =	vst v63  }
0x1b3: {  	v3 =	vadd.s32 v1, v3  }
0x1b4: {  	[tilespmem:s21], [sflag:$0x3] =	stream.indirect_vreg.gather [hbm4b:s6+s2], $0x80, v4, vm0, $0xb8;
	[tilespmem:$0x18800] =	vst v63  }
0x1b5: {  	_ = 	snop  }
0x1b6: {  	[tilespmem:s22], [sflag:$0x3] =	stream.indirect_vreg.gather [hbm4b:s7+s2], $0x80, v4, vm0, $0xb8;
	[tilespmem:$0x18800] =	vst v63  }
0x1b7: {  	_ = 	snop  }
0x1b8: {  	[tilespmem:s23], [sflag:$0x3] =	stream.indirect_vreg.gather [hbm4b:s4+s2], $0x80, v3, vm0, $0xb8;
	[tilespmem:$0x18800] =	vst v63  }
0x1b9: {  	_ = 	snop  }
0x1ba: {  	[tilespmem:s24], [sflag:$0x3] =	stream.indirect_vreg.gather [hbm4b:s5+s2], $0x80, v3, vm0, $0xb8;
	[tilespmem:$0x18800] =	vst v63  }
0x1bb: {  	_ = 	snop  }
0x1bc: {  	[tilespmem:s25], [sflag:$0x3] =	stream.indirect_vreg.gather [hbm4b:s6+s2], $0x80, v3, vm0, $0xb8;
	[tilespmem:$0x18800] =	vst v63  }
0x1bd: {  	s28 =	simm.s32 $0x14000  }
0x1be: {  	[tilespmem:s28], [sflag:$0x3] =	stream.indirect_vreg.gather [hbm4b:s7+s2], $0x80, v3, vm0, $0xb8;
	[tilespmem:$0x18800] =	vst v63  }
0x1bf: {  	v3 =	vld [tilespmem:$0x410];
	_ =	sdelay $0x4  }
0x1c0: {  	v49 =	vshll.u32 v3, $0x3  }
0x1c1: {  	v3 =	vand.u32 $0x7, v3;
	v4 =	vand.u32 $0xFFFFFFC0, v49  }
0x1c2: {  	v3 =	vor.u32 v3, v4  }
0x1c3: {  	v4 =	vperm.xlane v3, v0;
	_ =	sdelay $0x1  }
0x1c4: {  	v4 =	vadd.s32 v1, v4;
	_ =	sdelay $0x3  }
0x1c5: {  	s28 =	simm.s32 $0x14800  }
0x1c6: {  	[tilespmem:s28], [sflag:$0x3] =	stream.indirect_vreg.gather [hbm4b:s4+s2], $0x80, v4, vm0, $0xb8;
	[tilespmem:$0x18800] =	vst v63  }
0x1c7: {  	v3 =	vperm.xlane v3, v2;
	s28 =	simm.s32 $0x15000  }
0x1c8: {  	[tilespmem:s28], [sflag:$0x3] =	stream.indirect_vreg.gather [hbm4b:s5+s2], $0x80, v4, vm0, $0xb8;
	[tilespmem:$0x18800] =	vst v63  }
0x1c9: {  	v3 =	vadd.s32 v1, v3;
	s28 =	simm.s32 $0x15800  }
0x1ca: {  	[tilespmem:s28], [sflag:$0x3] =	stream.indirect_vreg.gather [hbm4b:s6+s2], $0x80, v4, vm0, $0xb8;
	[tilespmem:$0x18800] =	vst v63  }
0x1cb: {  	s28 =	simm.s32 $0x16000  }
0x1cc: {  	[tilespmem:s28], [sflag:$0x3] =	stream.indirect_vreg.gather [hbm4b:s7+s2], $0x80, v4, vm0, $0xb8;
	[tilespmem:$0x18800] =	vst v63  }
0x1cd: {  	s28 =	simm.s32 $0x16800  }
0x1ce: {  	[tilespmem:s28], [sflag:$0x3] =	stream.indirect_vreg.gather [hbm4b:s4+s2], $0x80, v3, vm0, $0xb8;
	[tilespmem:$0x18800] =	vst v63  }
0x1cf: {  	s28 =	simm.s32 $0x17000  }
0x1d0: {  	[tilespmem:s28], [sflag:$0x3] =	stream.indirect_vreg.gather [hbm4b:s5+s2], $0x80, v3, vm0, $0xb8;
	[tilespmem:$0x18800] =	vst v63  }
0x1d1: {  	s28 =	simm.s32 $0x17800  }
0x1d2: {  	[tilespmem:s28], [sflag:$0x3] =	stream.indirect_vreg.gather [hbm4b:s6+s2], $0x80, v3, vm0, $0xb8;
	[tilespmem:$0x18800] =	vst v63  }
0x1d3: {  	s28 =	simm.s32 $0x18000  }
0x1d4: {  	[tilespmem:s28], [sflag:$0x3] =	stream.indirect_vreg.gather [hbm4b:s7+s2], $0x80, v3, vm0, $0xb8;
	[tilespmem:$0x18800] =	vst v63  }
0x1d5: {  	_ =	swait.ge [sflag:s14], $0x8000  }
0x1d6: {  	[sflag:s14] =	ssyncset.done $0x0  }
0x1d7: {  	s19 =	simm.s32 $0x8800;
	s28 =	rddreg [dreg:$0xa];
	[sflag:s14] =	ssyncadd.s32 $0xFFFF8000  }
0x1d8: {  	[hbm4b:s28+s2] =	stream.linear.scatter [tilespmem:s19], [sflag:$0x5], $0x8000, $0x38;
	[tilespmem:$0x18800] =	vst v63  }
0x1d9: {  	_ =	swait.ge [sflag:s31], $0x8000  }
0x1da: {  	[sflag:s31] =	ssyncset.done $0x0  }
0x1db: {  	[sflag:s31] =	ssyncadd.s32 $0xFFFF8000  }
0x1dc: {  	v3 =	vld [tilespmem:$0x480];
	_ =	sdelay $0x4  }
0x1dd: {  	v50 =	vshll.u32 v3, $0x3  }
0x1de: {  	v3 =	vand.u32 $0x7, v3;
	v4 =	vand.u32 $0xFFFFFFC0, v50  }
0x1df: {  	v3 =	vor.u32 v3, v4  }
0x1e0: {  	v4 =	vperm.xlane v3, v0;
	_ =	sdelay $0x1  }
0x1e1: {  	v4 =	vadd.s32 v1, v4;
	_ =	sdelay $0x3  }
0x1e2: {  	s9 =	simm.s32 $0x800  }
0x1e3: {  	[tilespmem:s9], [sflag:$0x1] =	stream.indirect_vreg.gather [hbm4b:s4+s2], $0x80, v4, vm0, $0xb8;
	[tilespmem:$0x18800] =	vst v63  }
0x1e4: {  	s28 =	simm.s32 $0x1000;
	v3 =	vperm.xlane v3, v2  }
0x1e5: {  	[tilespmem:s28], [sflag:$0x1] =	stream.indirect_vreg.gather [hbm4b:s5+s2], $0x80, v4, vm0, $0xb8;
	[tilespmem:$0x18800] =	vst v63  }
0x1e6: {  	s26 =	simm.s32 $0x1800;
	v3 =	vadd.s32 v1, v3  }
0x1e7: {  	[tilespmem:s26], [sflag:$0x1] =	stream.indirect_vreg.gather [hbm4b:s6+s2], $0x80, v4, vm0, $0xb8;
	[tilespmem:$0x18800] =	vst v63  }
0x1e8: {  	s28 =	simm.s32 $0x2000  }
0x1e9: {  	[tilespmem:s28], [sflag:$0x1] =	stream.indirect_vreg.gather [hbm4b:s7+s2], $0x80, v4, vm0, $0xb8;
	[tilespmem:$0x18800] =	vst v63  }
0x1ea: {  	s28 =	simm.s32 $0x2800  }
0x1eb: {  	[tilespmem:s28], [sflag:$0x1] =	stream.indirect_vreg.gather [hbm4b:s4+s2], $0x80, v3, vm0, $0xb8;
	[tilespmem:$0x18800] =	vst v63  }
0x1ec: {  	s28 =	simm.s32 $0x3000  }
0x1ed: {  	[tilespmem:s28], [sflag:$0x1] =	stream.indirect_vreg.gather [hbm4b:s5+s2], $0x80, v3, vm0, $0xb8;
	[tilespmem:$0x18800] =	vst v63  }
0x1ee: {  	s28 =	simm.s32 $0x3800  }
0x1ef: {  	[tilespmem:s28], [sflag:$0x1] =	stream.indirect_vreg.gather [hbm4b:s6+s2], $0x80, v3, vm0, $0xb8;
	[tilespmem:$0x18800] =	vst v63  }
0x1f0: {  	_ = 	snop  }
0x1f1: {  	[tilespmem:s11], [sflag:$0x1] =	stream.indirect_vreg.gather [hbm4b:s7+s2], $0x80, v3, vm0, $0xb8;
	[tilespmem:$0x18800] =	vst v63  }
0x1f2: {  	v3 =	vld [tilespmem:$0x490];
	_ =	sdelay $0x4  }
0x1f3: {  	v51 =	vshll.u32 v3, $0x3  }
0x1f4: {  	v3 =	vand.u32 $0x7, v3;
	v4 =	vand.u32 $0xFFFFFFC0, v51  }
0x1f5: {  	v3 =	vor.u32 v3, v4  }
0x1f6: {  	v4 =	vperm.xlane v3, v0;
	_ =	sdelay $0x1  }
0x1f7: {  	v4 =	vadd.s32 v1, v4;
	_ =	sdelay $0x4  }
0x1f8: {  	[tilespmem:s10], [sflag:$0x1] =	stream.indirect_vreg.gather [hbm4b:s4+s2], $0x80, v4, vm0, $0xb8;
	[tilespmem:$0x18800] =	vst v63  }
0x1f9: {  	v3 =	vperm.xlane v3, v2  }
0x1fa: {  	[tilespmem:s13], [sflag:$0x1] =	stream.indirect_vreg.gather [hbm4b:s5+s2], $0x80, v4, vm0, $0xb8;
	[tilespmem:$0x18800] =	vst v63  }
0x1fb: {  	v3 =	vadd.s32 v1, v3;
	s13 =	simm.s32 $0x5800  }
0x1fc: {  	[tilespmem:s13], [sflag:$0x1] =	stream.indirect_vreg.gather [hbm4b:s6+s2], $0x80, v4, vm0, $0xb8;
	[tilespmem:$0x18800] =	vst v63  }
0x1fd: {  	s26 =	simm.s32 $0x6000  }
0x1fe: {  	[tilespmem:s26], [sflag:$0x1] =	stream.indirect_vreg.gather [hbm4b:s7+s2], $0x80, v4, vm0, $0xb8;
	[tilespmem:$0x18800] =	vst v63  }
0x1ff: {  	s28 =	simm.s32 $0x6800  }
0x200: {  	[tilespmem:s28], [sflag:$0x1] =	stream.indirect_vreg.gather [hbm4b:s4+s2], $0x80, v3, vm0, $0xb8;
	[tilespmem:$0x18800] =	vst v63  }
0x201: {  	s11 =	simm.s32 $0x7000  }
0x202: {  	[tilespmem:s11], [sflag:$0x1] =	stream.indirect_vreg.gather [hbm4b:s5+s2], $0x80, v3, vm0, $0xb8;
	[tilespmem:$0x18800] =	vst v63  }
0x203: {  	s20 =	simm.s32 $0x7800  }
0x204: {  	[tilespmem:s20], [sflag:$0x1] =	stream.indirect_vreg.gather [hbm4b:s6+s2], $0x80, v3, vm0, $0xb8;
	[tilespmem:$0x18800] =	vst v63  }
0x205: {  	_ = 	snop  }
0x206: {  	[tilespmem:s15], [sflag:$0x1] =	stream.indirect_vreg.gather [hbm4b:s7+s2], $0x80, v3, vm0, $0xb8;
	[tilespmem:$0x18800] =	vst v63  }
0x207: {  	_ =	swait.ge [sflag:s1], $0x8000  }
0x208: {  	[sflag:s1] =	ssyncset.done $0x0  }
0x209: {  	s13 =	rddreg [dreg:$0xb];
	[sflag:s1] =	ssyncadd.s32 $0xFFFF8000  }
0x20a: {  	[hbm4b:s13+s2] =	stream.linear.scatter [tilespmem:s18], [sflag:$0x6], $0x8000, $0x38;
	[tilespmem:$0x18800] =	vst v63  }
0x20b: {  	_ =	swait.ge [sflag:s0], $0x8000  }
0x20c: {  	[sflag:s0] =	ssyncset.done $0x0  }
0x20d: {  	[sflag:s0] =	ssyncadd.s32 $0xFFFF8000  }
0x20e: {  	v3 =	vld [tilespmem:$0x500];
	_ =	sdelay $0x4  }
0x20f: {  	v52 =	vshll.u32 v3, $0x3  }
0x210: {  	v3 =	vand.u32 $0x7, v3;
	v4 =	vand.u32 $0xFFFFFFC0, v52  }
0x211: {  	v3 =	vor.u32 v3, v4  }
0x212: {  	v4 =	vperm.xlane v3, v0;
	_ =	sdelay $0x1  }
0x213: {  	v4 =	vadd.s32 v1, v4;
	_ =	sdelay $0x4  }
0x214: {  	[tilespmem:s19], [sflag:$0x2] =	stream.indirect_vreg.gather [hbm4b:s4+s2], $0x80, v4, vm0, $0xb8;
	[tilespmem:$0x18800] =	vst v63  }
0x215: {  	s15 =	simm.s32 $0x9000;
	v3 =	vperm.xlane v3, v2  }
0x216: {  	[tilespmem:s15], [sflag:$0x2] =	stream.indirect_vreg.gather [hbm4b:s5+s2], $0x80, v4, vm0, $0xb8;
	[tilespmem:$0x18800] =	vst v63  }
0x217: {  	v3 =	vadd.s32 v1, v3  }
0x218: {  	[tilespmem:s8], [sflag:$0x2] =	stream.indirect_vreg.gather [hbm4b:s6+s2], $0x80, v4, vm0, $0xb8;
	[tilespmem:$0x18800] =	vst v63  }
0x219: {  	_ = 	snop  }
0x21a: {  	[tilespmem:s30], [sflag:$0x2] =	stream.indirect_vreg.gather [hbm4b:s7+s2], $0x80, v4, vm0, $0xb8;
	[tilespmem:$0x18800] =	vst v63  }
0x21b: {  	_ = 	snop  }
0x21c: {  	[tilespmem:s16], [sflag:$0x2] =	stream.indirect_vreg.gather [hbm4b:s4+s2], $0x80, v3, vm0, $0xb8;
	[tilespmem:$0x18800] =	vst v63  }
0x21d: {  	_ = 	snop  }
0x21e: {  	[tilespmem:s17], [sflag:$0x2] =	stream.indirect_vreg.gather [hbm4b:s5+s2], $0x80, v3, vm0, $0xb8;
	[tilespmem:$0x18800] =	vst v63  }
0x21f: {  	s17 =	simm.s32 $0xB800  }
0x220: {  	[tilespmem:s17], [sflag:$0x2] =	stream.indirect_vreg.gather [hbm4b:s6+s2], $0x80, v3, vm0, $0xb8;
	[tilespmem:$0x18800] =	vst v63  }
0x221: {  	s20 =	simm.s32 $0xC000  }
0x222: {  	[tilespmem:s20], [sflag:$0x2] =	stream.indirect_vreg.gather [hbm4b:s7+s2], $0x80, v3, vm0, $0xb8;
	[tilespmem:$0x18800] =	vst v63  }
0x223: {  	v3 =	vld [tilespmem:$0x510];
	_ =	sdelay $0x4  }
0x224: {  	v53 =	vshll.u32 v3, $0x3  }
0x225: {  	v3 =	vand.u32 $0x7, v3;
	v4 =	vand.u32 $0xFFFFFFC0, v53  }
0x226: {  	v3 =	vor.u32 v3, v4  }
0x227: {  	v4 =	vperm.xlane v3, v0;
	_ =	sdelay $0x1  }
0x228: {  	v4 =	vadd.s32 v1, v4;
	_ =	sdelay $0x3  }
0x229: {  	s26 =	simm.s32 $0xC800  }
0x22a: {  	[tilespmem:s26], [sflag:$0x2] =	stream.indirect_vreg.gather [hbm4b:s4+s2], $0x80, v4, vm0, $0xb8;
	[tilespmem:$0x18800] =	vst v63  }
0x22b: {  	s28 =	simm.s32 $0xD000;
	v3 =	vperm.xlane v3, v2  }
0x22c: {  	[tilespmem:s28], [sflag:$0x2] =	stream.indirect_vreg.gather [hbm4b:s5+s2], $0x80, v4, vm0, $0xb8;
	[tilespmem:$0x18800] =	vst v63  }
0x22d: {  	s11 =	simm.s32 $0xD800;
	v3 =	vadd.s32 v1, v3  }
0x22e: {  	[tilespmem:s11], [sflag:$0x2] =	stream.indirect_vreg.gather [hbm4b:s6+s2], $0x80, v4, vm0, $0xb8;
	[tilespmem:$0x18800] =	vst v63  }
0x22f: {  	s13 =	simm.s32 $0xE000  }
0x230: {  	[tilespmem:s13], [sflag:$0x2] =	stream.indirect_vreg.gather [hbm4b:s7+s2], $0x80, v4, vm0, $0xb8;
	[tilespmem:$0x18800] =	vst v63  }
0x231: {  	s17 =	simm.s32 $0xE800  }
0x232: {  	[tilespmem:s17], [sflag:$0x2] =	stream.indirect_vreg.gather [hbm4b:s4+s2], $0x80, v3, vm0, $0xb8;
	[tilespmem:$0x18800] =	vst v63  }
0x233: {  	s20 =	simm.s32 $0xF000  }
0x234: {  	[tilespmem:s20], [sflag:$0x2] =	stream.indirect_vreg.gather [hbm4b:s5+s2], $0x80, v3, vm0, $0xb8;
	[tilespmem:$0x18800] =	vst v63  }
0x235: {  	s26 =	simm.s32 $0xF800  }
0x236: {  	[tilespmem:s26], [sflag:$0x2] =	stream.indirect_vreg.gather [hbm4b:s6+s2], $0x80, v3, vm0, $0xb8;
	[tilespmem:$0x18800] =	vst v63  }
0x237: {  	s28 =	simm.s32 $0x10000  }
0x238: {  	[tilespmem:s28], [sflag:$0x2] =	stream.indirect_vreg.gather [hbm4b:s7+s2], $0x80, v3, vm0, $0xb8;
	[tilespmem:$0x18800] =	vst v63  }
0x239: {  	_ =	swait.ge [sflag:s29], $0x8000  }
0x23a: {  	[sflag:s29] =	ssyncset.done $0x0  }
0x23b: {  	s10 =	rddreg [dreg:$0xc];
	[sflag:s29] =	ssyncadd.s32 $0xFFFF8000  }
0x23c: {  	[hbm4b:s10+s2] =	stream.linear.scatter [tilespmem:s9], [sflag:$0x4], $0x8000, $0x38;
	[tilespmem:$0x18800] =	vst v63  }
0x23d: {  	_ =	swait.ge [sflag:s3], $0x8000  }
0x23e: {  	[sflag:s3] =	ssyncset.done $0x0  }
0x23f: {  	[sflag:s3] =	ssyncadd.s32 $0xFFFF8000  }
0x240: {  	v3 =	vld [tilespmem:$0x580];
	_ =	sdelay $0x4  }
0x241: {  	v54 =	vshll.u32 v3, $0x3  }
0x242: {  	v3 =	vand.u32 $0x7, v3;
	v4 =	vand.u32 $0xFFFFFFC0, v54  }
0x243: {  	v3 =	vor.u32 v3, v4  }
0x244: {  	v4 =	vperm.xlane v3, v0;
	_ =	sdelay $0x1  }
0x245: {  	v4 =	vadd.s32 v1, v4;
	_ =	sdelay $0x4  }
0x246: {  	[tilespmem:s18], [sflag:$0x3] =	stream.indirect_vreg.gather [hbm4b:s4+s2], $0x80, v4, vm0, $0xb8;
	[tilespmem:$0x18800] =	vst v63  }
0x247: {  	s11 =	simm.s32 $0x11000;
	v3 =	vperm.xlane v3, v2  }
0x248: {  	[tilespmem:s11], [sflag:$0x3] =	stream.indirect_vreg.gather [hbm4b:s5+s2], $0x80, v4, vm0, $0xb8;
	[tilespmem:$0x18800] =	vst v63  }
0x249: {  	s12 =	simm.s32 $0x11800;
	v3 =	vadd.s32 v1, v3  }
0x24a: {  	[tilespmem:s12], [sflag:$0x3] =	stream.indirect_vreg.gather [hbm4b:s6+s2], $0x80, v4, vm0, $0xb8;
	[tilespmem:$0x18800] =	vst v63  }
0x24b: {  	s22 =	simm.s32 $0x12000  }
0x24c: {  	[tilespmem:s22], [sflag:$0x3] =	stream.indirect_vreg.gather [hbm4b:s7+s2], $0x80, v4, vm0, $0xb8;
	[tilespmem:$0x18800] =	vst v63  }
0x24d: {  	s23 =	simm.s32 $0x12800  }
0x24e: {  	[tilespmem:s23], [sflag:$0x3] =	stream.indirect_vreg.gather [hbm4b:s4+s2], $0x80, v3, vm0, $0xb8;
	[tilespmem:$0x18800] =	vst v63  }
0x24f: {  	s24 =	simm.s32 $0x13000  }
0x250: {  	[tilespmem:s24], [sflag:$0x3] =	stream.indirect_vreg.gather [hbm4b:s5+s2], $0x80, v3, vm0, $0xb8;
	[tilespmem:$0x18800] =	vst v63  }
0x251: {  	s25 =	simm.s32 $0x13800  }
0x252: {  	[tilespmem:s25], [sflag:$0x3] =	stream.indirect_vreg.gather [hbm4b:s6+s2], $0x80, v3, vm0, $0xb8;
	[tilespmem:$0x18800] =	vst v63  }
0x253: {  	s12 =	simm.s32 $0x14000  }
0x254: {  	[tilespmem:s12], [sflag:$0x3] =	stream.indirect_vreg.gather [hbm4b:s7+s2], $0x80, v3, vm0, $0xb8;
	[tilespmem:$0x18800] =	vst v63  }
0x255: {  	v3 =	vld [tilespmem:$0x590];
	_ =	sdelay $0x4  }
0x256: {  	v55 =	vshll.u32 v3, $0x3  }
0x257: {  	v3 =	vand.u32 $0x7, v3;
	v4 =	vand.u32 $0xFFFFFFC0, v55  }
0x258: {  	v3 =	vor.u32 v3, v4  }
0x259: {  	v4 =	vperm.xlane v3, v0;
	_ =	sdelay $0x1  }
0x25a: {  	v4 =	vadd.s32 v1, v4;
	_ =	sdelay $0x3  }
0x25b: {  	s13 =	simm.s32 $0x14800  }
0x25c: {  	[tilespmem:s13], [sflag:$0x3] =	stream.indirect_vreg.gather [hbm4b:s4+s2], $0x80, v4, vm0, $0xb8;
	[tilespmem:$0x18800] =	vst v63  }
0x25d: {  	s25 =	simm.s32 $0x15000;
	v3 =	vperm.xlane v3, v2  }
0x25e: {  	[tilespmem:s25], [sflag:$0x3] =	stream.indirect_vreg.gather [hbm4b:s5+s2], $0x80, v4, vm0, $0xb8;
	[tilespmem:$0x18800] =	vst v63  }
0x25f: {  	s28 =	simm.s32 $0x15800;
	v3 =	vadd.s32 v1, v3  }
0x260: {  	[tilespmem:s28], [sflag:$0x3] =	stream.indirect_vreg.gather [hbm4b:s6+s2], $0x80, v4, vm0, $0xb8;
	[tilespmem:$0x18800] =	vst v63  }
0x261: {  	s21 =	simm.s32 $0x16000  }
0x262: {  	[tilespmem:s21], [sflag:$0x3] =	stream.indirect_vreg.gather [hbm4b:s7+s2], $0x80, v4, vm0, $0xb8;
	[tilespmem:$0x18800] =	vst v63  }
0x263: {  	s11 =	simm.s32 $0x16800  }
0x264: {  	[tilespmem:s11], [sflag:$0x3] =	stream.indirect_vreg.gather [hbm4b:s4+s2], $0x80, v3, vm0, $0xb8;
	[tilespmem:$0x18800] =	vst v63  }
0x265: {  	s13 =	simm.s32 $0x17000  }
0x266: {  	[tilespmem:s13], [sflag:$0x3] =	stream.indirect_vreg.gather [hbm4b:s5+s2], $0x80, v3, vm0, $0xb8;
	[tilespmem:$0x18800] =	vst v63  }
0x267: {  	s28 =	simm.s32 $0x17800  }
0x268: {  	[tilespmem:s28], [sflag:$0x3] =	stream.indirect_vreg.gather [hbm4b:s6+s2], $0x80, v3, vm0, $0xb8;
	[tilespmem:$0x18800] =	vst v63  }
0x269: {  	s28 =	simm.s32 $0x18000  }
0x26a: {  	[tilespmem:s28], [sflag:$0x3] =	stream.indirect_vreg.gather [hbm4b:s7+s2], $0x80, v3, vm0, $0xb8;
	[tilespmem:$0x18800] =	vst v63  }
0x26b: {  	_ =	swait.ge [sflag:s14], $0x8000  }
0x26c: {  	[sflag:s14] =	ssyncset.done $0x0  }
0x26d: {  	s28 =	rddreg [dreg:$0xd];
	[sflag:s14] =	ssyncadd.s32 $0xFFFF8000  }
0x26e: {  	[hbm4b:s28+s2] =	stream.linear.scatter [tilespmem:s19], [sflag:$0x5], $0x8000, $0x38;
	[tilespmem:$0x18800] =	vst v63  }
0x26f: {  	_ =	swait.ge [sflag:s31], $0x8000  }
0x270: {  	[sflag:s31] =	ssyncset.done $0x0  }
0x271: {  	[sflag:s31] =	ssyncadd.s32 $0xFFFF8000  }
0x272: {  	v3 =	vld [tilespmem:$0x600];
	_ =	sdelay $0x4  }
0x273: {  	v56 =	vshll.u32 v3, $0x3  }
0x274: {  	v3 =	vand.u32 $0x7, v3;
	v4 =	vand.u32 $0xFFFFFFC0, v56  }
0x275: {  	v3 =	vor.u32 v3, v4  }
0x276: {  	v4 =	vperm.xlane v3, v0;
	_ =	sdelay $0x1  }
0x277: {  	v4 =	vadd.s32 v1, v4;
	_ =	sdelay $0x4  }
0x278: {  	[tilespmem:s9], [sflag:$0x1] =	stream.indirect_vreg.gather [hbm4b:s4+s2], $0x80, v4, vm0, $0xb8;
	[tilespmem:$0x18800] =	vst v63  }
0x279: {  	s28 =	simm.s32 $0x1000;
	v3 =	vperm.xlane v3, v2  }
0x27a: {  	[tilespmem:s28], [sflag:$0x1] =	stream.indirect_vreg.gather [hbm4b:s5+s2], $0x80, v4, vm0, $0xb8;
	[tilespmem:$0x18800] =	vst v63  }
0x27b: {  	v3 =	vadd.s32 v1, v3;
	s28 =	simm.s32 $0x1800  }
0x27c: {  	[tilespmem:s28], [sflag:$0x1] =	stream.indirect_vreg.gather [hbm4b:s6+s2], $0x80, v4, vm0, $0xb8;
	[tilespmem:$0x18800] =	vst v63  }
0x27d: {  	s28 =	simm.s32 $0x2000  }
0x27e: {  	[tilespmem:s28], [sflag:$0x1] =	stream.indirect_vreg.gather [hbm4b:s7+s2], $0x80, v4, vm0, $0xb8;
	[tilespmem:$0x18800] =	vst v63  }
0x27f: {  	s28 =	simm.s32 $0x2800  }
0x280: {  	[tilespmem:s28], [sflag:$0x1] =	stream.indirect_vreg.gather [hbm4b:s4+s2], $0x80, v3, vm0, $0xb8;
	[tilespmem:$0x18800] =	vst v63  }
0x281: {  	s28 =	simm.s32 $0x3000  }
0x282: {  	[tilespmem:s28], [sflag:$0x1] =	stream.indirect_vreg.gather [hbm4b:s5+s2], $0x80, v3, vm0, $0xb8;
	[tilespmem:$0x18800] =	vst v63  }
0x283: {  	s28 =	simm.s32 $0x3800  }
0x284: {  	[tilespmem:s28], [sflag:$0x1] =	stream.indirect_vreg.gather [hbm4b:s6+s2], $0x80, v3, vm0, $0xb8;
	[tilespmem:$0x18800] =	vst v63  }
0x285: {  	s28 =	simm.s32 $0x4000  }
0x286: {  	[tilespmem:s28], [sflag:$0x1] =	stream.indirect_vreg.gather [hbm4b:s7+s2], $0x80, v3, vm0, $0xb8;
	[tilespmem:$0x18800] =	vst v63  }
0x287: {  	v3 =	vld [tilespmem:$0x610];
	_ =	sdelay $0x4  }
0x288: {  	v57 =	vshll.u32 v3, $0x3  }
0x289: {  	v3 =	vand.u32 $0x7, v3;
	v4 =	vand.u32 $0xFFFFFFC0, v57  }
0x28a: {  	v3 =	vor.u32 v3, v4  }
0x28b: {  	v4 =	vperm.xlane v3, v0;
	_ =	sdelay $0x1  }
0x28c: {  	v4 =	vadd.s32 v1, v4;
	_ =	sdelay $0x3  }
0x28d: {  	s28 =	simm.s32 $0x4800  }
0x28e: {  	[tilespmem:s28], [sflag:$0x1] =	stream.indirect_vreg.gather [hbm4b:s4+s2], $0x80, v4, vm0, $0xb8;
	[tilespmem:$0x18800] =	vst v63  }
0x28f: {  	v3 =	vperm.xlane v3, v2;
	s28 =	simm.s32 $0x5000  }
0x290: {  	[tilespmem:s28], [sflag:$0x1] =	stream.indirect_vreg.gather [hbm4b:s5+s2], $0x80, v4, vm0, $0xb8;
	[tilespmem:$0x18800] =	vst v63  }
0x291: {  	v3 =	vadd.s32 v1, v3;
	s28 =	simm.s32 $0x5800  }
0x292: {  	[tilespmem:s28], [sflag:$0x1] =	stream.indirect_vreg.gather [hbm4b:s6+s2], $0x80, v4, vm0, $0xb8;
	[tilespmem:$0x18800] =	vst v63  }
0x293: {  	s28 =	simm.s32 $0x6000  }
0x294: {  	[tilespmem:s28], [sflag:$0x1] =	stream.indirect_vreg.gather [hbm4b:s7+s2], $0x80, v4, vm0, $0xb8;
	[tilespmem:$0x18800] =	vst v63  }
0x295: {  	s28 =	simm.s32 $0x6800  }
0x296: {  	[tilespmem:s28], [sflag:$0x1] =	stream.indirect_vreg.gather [hbm4b:s4+s2], $0x80, v3, vm0, $0xb8;
	[tilespmem:$0x18800] =	vst v63  }
0x297: {  	s28 =	simm.s32 $0x7000  }
0x298: {  	[tilespmem:s28], [sflag:$0x1] =	stream.indirect_vreg.gather [hbm4b:s5+s2], $0x80, v3, vm0, $0xb8;
	[tilespmem:$0x18800] =	vst v63  }
0x299: {  	s28 =	simm.s32 $0x7800  }
0x29a: {  	[tilespmem:s28], [sflag:$0x1] =	stream.indirect_vreg.gather [hbm4b:s6+s2], $0x80, v3, vm0, $0xb8;
	[tilespmem:$0x18800] =	vst v63  }
0x29b: {  	s28 =	simm.s32 $0x8000  }
0x29c: {  	[tilespmem:s28], [sflag:$0x1] =	stream.indirect_vreg.gather [hbm4b:s7+s2], $0x80, v3, vm0, $0xb8;
	[tilespmem:$0x18800] =	vst v63  }
0x29d: {  	_ =	swait.ge [sflag:s1], $0x8000  }
0x29e: {  	[sflag:s1] =	ssyncset.done $0x0  }
0x29f: {  	s28 =	rddreg [dreg:$0xe];
	[sflag:s1] =	ssyncadd.s32 $0xFFFF8000  }
0x2a0: {  	[hbm4b:s28+s2] =	stream.linear.scatter [tilespmem:s18], [sflag:$0x6], $0x8000, $0x38;
	[tilespmem:$0x18800] =	vst v63  }
0x2a1: {  	_ =	swait.ge [sflag:s0], $0x8000  }
0x2a2: {  	[sflag:s0] =	ssyncset.done $0x0  }
0x2a3: {  	[sflag:s0] =	ssyncadd.s32 $0xFFFF8000  }
0x2a4: {  	v3 =	vld [tilespmem:$0x680];
	_ =	sdelay $0x4  }
0x2a5: {  	v58 =	vshll.u32 v3, $0x3  }
0x2a6: {  	v3 =	vand.u32 $0x7, v3;
	v4 =	vand.u32 $0xFFFFFFC0, v58  }
0x2a7: {  	v3 =	vor.u32 v3, v4  }
0x2a8: {  	v4 =	vperm.xlane v3, v0;
	_ =	sdelay $0x1  }
0x2a9: {  	v4 =	vadd.s32 v1, v4;
	_ =	sdelay $0x4  }
0x2aa: {  	[tilespmem:s19], [sflag:$0x2] =	stream.indirect_vreg.gather [hbm4b:s4+s2], $0x80, v4, vm0, $0xb8;
	[tilespmem:$0x18800] =	vst v63  }
0x2ab: {  	s28 =	simm.s32 $0x9000;
	v3 =	vperm.xlane v3, v2  }
0x2ac: {  	[tilespmem:s28], [sflag:$0x2] =	stream.indirect_vreg.gather [hbm4b:s5+s2], $0x80, v4, vm0, $0xb8;
	[tilespmem:$0x18800] =	vst v63  }
0x2ad: {  	s8 =	simm.s32 $0x9800;
	v3 =	vadd.s32 v1, v3  }
0x2ae: {  	[tilespmem:s8], [sflag:$0x2] =	stream.indirect_vreg.gather [hbm4b:s6+s2], $0x80, v4, vm0, $0xb8;
	[tilespmem:$0x18800] =	vst v63  }
0x2af: {  	s30 =	simm.s32 $0xA000  }
0x2b0: {  	[tilespmem:s30], [sflag:$0x2] =	stream.indirect_vreg.gather [hbm4b:s7+s2], $0x80, v4, vm0, $0xb8;
	[tilespmem:$0x18800] =	vst v63  }
0x2b1: {  	s15 =	simm.s32 $0xA800  }
0x2b2: {  	[tilespmem:s15], [sflag:$0x2] =	stream.indirect_vreg.gather [hbm4b:s4+s2], $0x80, v3, vm0, $0xb8;
	[tilespmem:$0x18800] =	vst v63  }
0x2b3: {  	s16 =	simm.s32 $0xB000  }
0x2b4: {  	[tilespmem:s16], [sflag:$0x2] =	stream.indirect_vreg.gather [hbm4b:s5+s2], $0x80, v3, vm0, $0xb8;
	[tilespmem:$0x18800] =	vst v63  }
0x2b5: {  	s28 =	simm.s32 $0xB800  }
0x2b6: {  	[tilespmem:s28], [sflag:$0x2] =	stream.indirect_vreg.gather [hbm4b:s6+s2], $0x80, v3, vm0, $0xb8;
	[tilespmem:$0x18800] =	vst v63  }
0x2b7: {  	s30 =	simm.s32 $0xC000  }
0x2b8: {  	[tilespmem:s30], [sflag:$0x2] =	stream.indirect_vreg.gather [hbm4b:s7+s2], $0x80, v3, vm0, $0xb8;
	[tilespmem:$0x18800] =	vst v63  }
0x2b9: {  	v3 =	vld [tilespmem:$0x690];
	_ =	sdelay $0x4  }
0x2ba: {  	v59 =	vshll.u32 v3, $0x3  }
0x2bb: {  	v3 =	vand.u32 $0x7, v3;
	v4 =	vand.u32 $0xFFFFFFC0, v59  }
0x2bc: {  	v3 =	vor.u32 v3, v4  }
0x2bd: {  	v4 =	vperm.xlane v3, v0;
	_ =	sdelay $0x1  }
0x2be: {  	v4 =	vadd.s32 v1, v4;
	_ =	sdelay $0x3  }
0x2bf: {  	s15 =	simm.s32 $0xC800  }
0x2c0: {  	[tilespmem:s15], [sflag:$0x2] =	stream.indirect_vreg.gather [hbm4b:s4+s2], $0x80, v4, vm0, $0xb8;
	[tilespmem:$0x18800] =	vst v63  }
0x2c1: {  	s16 =	simm.s32 $0xD000;
	v3 =	vperm.xlane v3, v2  }
0x2c2: {  	[tilespmem:s16], [sflag:$0x2] =	stream.indirect_vreg.gather [hbm4b:s5+s2], $0x80, v4, vm0, $0xb8;
	[tilespmem:$0x18800] =	vst v63  }
0x2c3: {  	s28 =	simm.s32 $0xD800;
	v3 =	vadd.s32 v1, v3  }
0x2c4: {  	[tilespmem:s28], [sflag:$0x2] =	stream.indirect_vreg.gather [hbm4b:s6+s2], $0x80, v4, vm0, $0xb8;
	[tilespmem:$0x18800] =	vst v63  }
0x2c5: {  	s30 =	simm.s32 $0xE000  }
0x2c6: {  	[tilespmem:s30], [sflag:$0x2] =	stream.indirect_vreg.gather [hbm4b:s7+s2], $0x80, v4, vm0, $0xb8;
	[tilespmem:$0x18800] =	vst v63  }
0x2c7: {  	s15 =	simm.s32 $0xE800  }
0x2c8: {  	[tilespmem:s15], [sflag:$0x2] =	stream.indirect_vreg.gather [hbm4b:s4+s2], $0x80, v3, vm0, $0xb8;
	[tilespmem:$0x18800] =	vst v63  }
0x2c9: {  	s16 =	simm.s32 $0xF000  }
0x2ca: {  	[tilespmem:s16], [sflag:$0x2] =	stream.indirect_vreg.gather [hbm4b:s5+s2], $0x80, v3, vm0, $0xb8;
	[tilespmem:$0x18800] =	vst v63  }
0x2cb: {  	s28 =	simm.s32 $0xF800  }
0x2cc: {  	[tilespmem:s28], [sflag:$0x2] =	stream.indirect_vreg.gather [hbm4b:s6+s2], $0x80, v3, vm0, $0xb8;
	[tilespmem:$0x18800] =	vst v63  }
0x2cd: {  	s30 =	simm.s32 $0x10000  }
0x2ce: {  	[tilespmem:s30], [sflag:$0x2] =	stream.indirect_vreg.gather [hbm4b:s7+s2], $0x80, v3, vm0, $0xb8;
	[tilespmem:$0x18800] =	vst v63  }
0x2cf: {  	_ =	swait.ge [sflag:s29], $0x8000  }
0x2d0: {  	[sflag:s29] =	ssyncset.done $0x0  }
0x2d1: {  	s15 =	rddreg [dreg:$0xf];
	[sflag:s29] =	ssyncadd.s32 $0xFFFF8000  }
0x2d2: {  	[hbm4b:s15+s2] =	stream.linear.scatter [tilespmem:s9], [sflag:$0x4], $0x8000, $0x38;
	[tilespmem:$0x18800] =	vst v63  }
0x2d3: {  	_ =	swait.ge [sflag:s3], $0x8000  }
0x2d4: {  	[sflag:s3] =	ssyncset.done $0x0  }
0x2d5: {  	[sflag:s3] =	ssyncadd.s32 $0xFFFF8000  }
0x2d6: {  	v3 =	vld [tilespmem:$0x700];
	_ =	sdelay $0x4  }
0x2d7: {  	v60 =	vshll.u32 v3, $0x3  }
0x2d8: {  	v3 =	vand.u32 $0x7, v3;
	v4 =	vand.u32 $0xFFFFFFC0, v60  }
0x2d9: {  	v3 =	vor.u32 v3, v4  }
0x2da: {  	v4 =	vperm.xlane v3, v0;
	_ =	sdelay $0x1  }
0x2db: {  	v4 =	vadd.s32 v1, v4;
	_ =	sdelay $0x4  }
0x2dc: {  	[tilespmem:s18], [sflag:$0x3] =	stream.indirect_vreg.gather [hbm4b:s4+s2], $0x80, v4, vm0, $0xb8;
	[tilespmem:$0x18800] =	vst v63  }
0x2dd: {  	s16 =	simm.s32 $0x11000;
	v3 =	vperm.xlane v3, v2  }
0x2de: {  	[tilespmem:s16], [sflag:$0x3] =	stream.indirect_vreg.gather [hbm4b:s5+s2], $0x80, v4, vm0, $0xb8;
	[tilespmem:$0x18800] =	vst v63  }
0x2df: {  	s17 =	simm.s32 $0x11800;
	v3 =	vadd.s32 v1, v3  }
0x2e0: {  	[tilespmem:s17], [sflag:$0x3] =	stream.indirect_vreg.gather [hbm4b:s6+s2], $0x80, v4, vm0, $0xb8;
	[tilespmem:$0x18800] =	vst v63  }
0x2e1: {  	s10 =	simm.s32 $0x12000  }
0x2e2: {  	[tilespmem:s10], [sflag:$0x3] =	stream.indirect_vreg.gather [hbm4b:s7+s2], $0x80, v4, vm0, $0xb8;
	[tilespmem:$0x18800] =	vst v63  }
0x2e3: {  	s22 =	simm.s32 $0x12800  }
0x2e4: {  	[tilespmem:s22], [sflag:$0x3] =	stream.indirect_vreg.gather [hbm4b:s4+s2], $0x80, v3, vm0, $0xb8;
	[tilespmem:$0x18800] =	vst v63  }
0x2e5: {  	s23 =	simm.s32 $0x13000  }
0x2e6: {  	[tilespmem:s23], [sflag:$0x3] =	stream.indirect_vreg.gather [hbm4b:s5+s2], $0x80, v3, vm0, $0xb8;
	[tilespmem:$0x18800] =	vst v63  }
0x2e7: {  	s24 =	simm.s32 $0x13800  }
0x2e8: {  	[tilespmem:s24], [sflag:$0x3] =	stream.indirect_vreg.gather [hbm4b:s6+s2], $0x80, v3, vm0, $0xb8;
	[tilespmem:$0x18800] =	vst v63  }
0x2e9: {  	s20 =	simm.s32 $0x14000  }
0x2ea: {  	[tilespmem:s20], [sflag:$0x3] =	stream.indirect_vreg.gather [hbm4b:s7+s2], $0x80, v3, vm0, $0xb8;
	[tilespmem:$0x18800] =	vst v63  }
0x2eb: {  	v3 =	vld [tilespmem:$0x710];
	_ =	sdelay $0x4  }
0x2ec: {  	v61 =	vshll.u32 v3, $0x3  }
0x2ed: {  	v3 =	vand.u32 $0x7, v3;
	v4 =	vand.u32 $0xFFFFFFC0, v61  }
0x2ee: {  	v3 =	vor.u32 v3, v4  }
0x2ef: {  	v4 =	vperm.xlane v3, v0;
	_ =	sdelay $0x1  }
0x2f0: {  	v4 =	vadd.s32 v1, v4;
	_ =	sdelay $0x3  }
0x2f1: {  	s26 =	simm.s32 $0x14800  }
0x2f2: {  	[tilespmem:s26], [sflag:$0x3] =	stream.indirect_vreg.gather [hbm4b:s4+s2], $0x80, v4, vm0, $0xb8;
	[tilespmem:$0x18800] =	vst v63  }
0x2f3: {  	s24 =	simm.s32 $0x15000;
	v3 =	vperm.xlane v3, v2  }
0x2f4: {  	[tilespmem:s24], [sflag:$0x3] =	stream.indirect_vreg.gather [hbm4b:s5+s2], $0x80, v4, vm0, $0xb8;
	[tilespmem:$0x18800] =	vst v63  }
0x2f5: {  	s25 =	simm.s32 $0x15800;
	v3 =	vadd.s32 v1, v3  }
0x2f6: {  	[tilespmem:s25], [sflag:$0x3] =	stream.indirect_vreg.gather [hbm4b:s6+s2], $0x80, v4, vm0, $0xb8;
	[tilespmem:$0x18800] =	vst v63  }
0x2f7: {  	s12 =	simm.s32 $0x16000  }
0x2f8: {  	[tilespmem:s12], [sflag:$0x3] =	stream.indirect_vreg.gather [hbm4b:s7+s2], $0x80, v4, vm0, $0xb8;
	[tilespmem:$0x18800] =	vst v63  }
0x2f9: {  	s21 =	simm.s32 $0x16800  }
0x2fa: {  	[tilespmem:s21], [sflag:$0x3] =	stream.indirect_vreg.gather [hbm4b:s4+s2], $0x80, v3, vm0, $0xb8;
	[tilespmem:$0x18800] =	vst v63  }
0x2fb: {  	s11 =	simm.s32 $0x17000  }
0x2fc: {  	[tilespmem:s11], [sflag:$0x3] =	stream.indirect_vreg.gather [hbm4b:s5+s2], $0x80, v3, vm0, $0xb8;
	[tilespmem:$0x18800] =	vst v63  }
0x2fd: {  	s13 =	simm.s32 $0x17800  }
0x2fe: {  	[tilespmem:s13], [sflag:$0x3] =	stream.indirect_vreg.gather [hbm4b:s6+s2], $0x80, v3, vm0, $0xb8;
	[tilespmem:$0x18800] =	vst v63  }
0x2ff: {  	s25 =	simm.s32 $0x18000  }
0x300: {  	[tilespmem:s25], [sflag:$0x3] =	stream.indirect_vreg.gather [hbm4b:s7+s2], $0x80, v3, vm0, $0xb8;
	[tilespmem:$0x18800] =	vst v63  }
0x301: {  	_ =	swait.ge [sflag:s14], $0x8000  }
0x302: {  	[sflag:s14] =	ssyncset.done $0x0  }
0x303: {  	s26 =	rddreg [dreg:$0x10];
	[sflag:s14] =	ssyncadd.s32 $0xFFFF8000  }
0x304: {  	[hbm4b:s26+s2] =	stream.linear.scatter [tilespmem:s19], [sflag:$0x5], $0x8000, $0x38;
	[tilespmem:$0x18800] =	vst v63  }
0x305: {  	_ =	swait.ge [sflag:s31], $0x8000  }
0x306: {  	[sflag:s31] =	ssyncset.done $0x0  }
0x307: {  	[sflag:s31] =	ssyncadd.s32 $0xFFFF8000  }
0x308: {  	v3 =	vld [tilespmem:$0x780];
	_ =	sdelay $0x4  }
0x309: {  	v62 =	vshll.u32 v3, $0x3  }
0x30a: {  	v3 =	vand.u32 $0x7, v3;
	v4 =	vand.u32 $0xFFFFFFC0, v62  }
0x30b: {  	v3 =	vor.u32 v3, v4  }
0x30c: {  	v4 =	vperm.xlane v3, v0;
	_ =	sdelay $0x1  }
0x30d: {  	v4 =	vadd.s32 v1, v4;
	_ =	sdelay $0x4  }
0x30e: {  	[tilespmem:s9], [sflag:$0x1] =	stream.indirect_vreg.gather [hbm4b:s4+s2], $0x80, v4, vm0, $0xb8;
	[tilespmem:$0x18800] =	vst v63  }
0x30f: {  	s28 =	simm.s32 $0x1000;
	v3 =	vperm.xlane v3, v2  }
0x310: {  	[tilespmem:s28], [sflag:$0x1] =	stream.indirect_vreg.gather [hbm4b:s5+s2], $0x80, v4, vm0, $0xb8;
	[tilespmem:$0x18800] =	vst v63  }
0x311: {  	s30 =	simm.s32 $0x1800;
	v3 =	vadd.s32 v1, v3  }
0x312: {  	[tilespmem:s30], [sflag:$0x1] =	stream.indirect_vreg.gather [hbm4b:s6+s2], $0x80, v4, vm0, $0xb8;
	[tilespmem:$0x18800] =	vst v63  }
0x313: {  	s10 =	simm.s32 $0x2000  }
0x314: {  	[tilespmem:s10], [sflag:$0x1] =	stream.indirect_vreg.gather [hbm4b:s7+s2], $0x80, v4, vm0, $0xb8;
	[tilespmem:$0x18800] =	vst v63  }
0x315: {  	s11 =	simm.s32 $0x2800  }
0x316: {  	[tilespmem:s11], [sflag:$0x1] =	stream.indirect_vreg.gather [hbm4b:s4+s2], $0x80, v3, vm0, $0xb8;
	[tilespmem:$0x18800] =	vst v63  }
0x317: {  	s12 =	simm.s32 $0x3000  }
0x318: {  	[tilespmem:s12], [sflag:$0x1] =	stream.indirect_vreg.gather [hbm4b:s5+s2], $0x80, v3, vm0, $0xb8;
	[tilespmem:$0x18800] =	vst v63  }
0x319: {  	s13 =	simm.s32 $0x3800  }
0x31a: {  	[tilespmem:s13], [sflag:$0x1] =	stream.indirect_vreg.gather [hbm4b:s6+s2], $0x80, v3, vm0, $0xb8;
	[tilespmem:$0x18800] =	vst v63  }
0x31b: {  	s15 =	simm.s32 $0x4000  }
0x31c: {  	[tilespmem:s15], [sflag:$0x1] =	stream.indirect_vreg.gather [hbm4b:s7+s2], $0x80, v3, vm0, $0xb8;
	[tilespmem:$0x18800] =	vst v63  }
0x31d: {  	v3 =	vld [tilespmem:$0x790];
	_ =	sdelay $0x4  }
0x31e: {  	v63 =	vshll.u32 v3, $0x3  }
0x31f: {  	v3 =	vand.u32 $0x7, v3;
	v4 =	vand.u32 $0xFFFFFFC0, v63  }
0x320: {  	v3 =	vor.u32 v3, v4  }
0x321: {  	v4 =	vperm.xlane v3, v0;
	_ =	sdelay $0x1  }
0x322: {  	v4 =	vadd.s32 v1, v4;
	_ =	sdelay $0x3  }
0x323: {  	s16 =	simm.s32 $0x4800  }
0x324: {  	[tilespmem:s16], [sflag:$0x1] =	stream.indirect_vreg.gather [hbm4b:s4+s2], $0x80, v4, vm0, $0xb8;
	[tilespmem:$0x18800] =	vst v63  }
0x325: {  	s17 =	simm.s32 $0x5000;
	v3 =	vperm.xlane v3, v2  }
0x326: {  	[tilespmem:s17], [sflag:$0x1] =	stream.indirect_vreg.gather [hbm4b:s5+s2], $0x80, v4, vm0, $0xb8;
	[tilespmem:$0x18800] =	vst v63  }
0x327: {  	s19 =	simm.s32 $0x5800;
	v3 =	vadd.s32 v1, v3  }
0x328: {  	[tilespmem:s19], [sflag:$0x1] =	stream.indirect_vreg.gather [hbm4b:s6+s2], $0x80, v4, vm0, $0xb8;
	[tilespmem:$0x18800] =	vst v63  }
0x329: {  	s20 =	simm.s32 $0x6000  }
0x32a: {  	[tilespmem:s20], [sflag:$0x1] =	stream.indirect_vreg.gather [hbm4b:s7+s2], $0x80, v4, vm0, $0xb8;
	[tilespmem:$0x18800] =	vst v63  }
0x32b: {  	s21 =	simm.s32 $0x6800  }
0x32c: {  	[tilespmem:s21], [sflag:$0x1] =	stream.indirect_vreg.gather [hbm4b:s4+s2], $0x80, v3, vm0, $0xb8;
	[tilespmem:$0x18800] =	vst v63  }
0x32d: {  	s22 =	simm.s32 $0x7000  }
0x32e: {  	[tilespmem:s22], [sflag:$0x1] =	stream.indirect_vreg.gather [hbm4b:s5+s2], $0x80, v3, vm0, $0xb8;
	[tilespmem:$0x18800] =	vst v63  }
0x32f: {  	s23 =	simm.s32 $0x7800  }
0x330: {  	[tilespmem:s23], [sflag:$0x1] =	stream.indirect_vreg.gather [hbm4b:s6+s2], $0x80, v3, vm0, $0xb8;
	[tilespmem:$0x18800] =	vst v63  }
0x331: {  	s24 =	simm.s32 $0x8000  }
0x332: {  	[tilespmem:s24], [sflag:$0x1] =	stream.indirect_vreg.gather [hbm4b:s7+s2], $0x80, v3, vm0, $0xb8;
	[tilespmem:$0x18800] =	vst v63  }
0x333: {  	_ =	swait.ge [sflag:s1], $0x8000  }
0x334: {  	[sflag:s1] =	ssyncset.done $0x0  }
0x335: {  	s25 =	rddreg [dreg:$0x11];
	[sflag:s1] =	ssyncadd.s32 $0xFFFF8000  }
0x336: {  	[hbm4b:s25+s2] =	stream.linear.scatter [tilespmem:s18], [sflag:$0x6], $0x8000, $0x38;
	[tilespmem:$0x18800] =	vst v63  }
0x337: {  	_ =	swait.ge [sflag:s29], $0x8000  }
0x338: {  	[sflag:s29] =	ssyncset.done $0x0  }
0x339: {  	s26 =	rddreg [dreg:$0x12];
	[sflag:s29] =	ssyncadd.s32 $0xFFFF8000  }
0x33a: {  	[hbm4b:s26+s2] =	stream.linear.scatter [tilespmem:s9], [sflag:$0x4], $0x8000, $0x38;
	[tilespmem:$0x18800] =	vst v63  }
0x33b: {  	s30 =	rddreg [dreg:$0x14];
	_ =	swait.ge [sflag:s31], $0x8000  }
0x33c: {  	[sflag:s31] =	ssyncset.done $0x0  }
0x33d: {  	[sflag:s31] =	ssyncadd.s32 $0xFFFF8000  }
0x33e: {  	p0 =	sne.s32 s30, $0x1;
	_ =	swait.ge [sflag:s0], $0x8000  }
.Ltmp0:
0x33f: {  	[sflag:s0] =	ssyncset.done $0x0;
	(pc) =	sbr.rel @p0 .LBB2_1-.Ltmp0, $4  }
0x340: {  	[sflag:s0] =	ssyncadd.s32 $0xFFFF8000  }
0x341: {  	_ =	swait.ge [sflag:s3], $0x8000  }
0x342: {  	[sflag:s3] =	ssyncset.done $0x0  }
0x343: {  	s8 =	sadd.s32 $0xFFFFFFFF, s30;
	[sflag:s3] =	ssyncadd.s32 $0xFFFF8000  }
0x344: {  	_ =	sfence.sel $0x180000  }
0x345: {  	[bflag:$0x0] =	sbarrier.arrive $0xFFFF  }
0x346: {  	_ =	strace $0x90000047  }
0x347: {  	s0 =	stileid.u32;
	[bflag:$0x2] =	sbarrier.arrive $0xFFFF  }
0x348: {  	p0 =	sne.s32 s0, $0x0;
	s0 =	rddreg [dreg:$0x2]  }
0x349: {  	s0 =	sadd.s32 @!p0 $0x100000, s0  }
0x34a: {  	[sflag:s0] =	ssyncadd.tile.s32 @!p0 $0x1;
	_ =	shalt  }
.Lfunc_end2:
_tile_overlayer_lowered:
.L_overlay_start_2:
0x34b: {  	(tag) =	ssettag $0x2  }
0x34c: {  	s0 =	rddreg [dreg:$0x0];
	s2 =	stileid.u32  }
0x34d: {  	s1 =	rddreg [dreg:$0x1];
	p0 =	sne.s32 s2, $0x0  }
0x34e: {  	s3 =	rddreg [dreg:$0x2];
	[bflag:$0x3] =	sbarrier.arrive $0xFFFF;
	s2 =	simm.s32 @!p0 $0x1C07  }
0x34f: {  	[timem:s3], [sflag:s2] =	dma.local @!p0 [hbm:s0], s1  }
0x350: {  	s0 =	simm.s32 @!p0 $0x7  }
0x351: {  	_ =	swait.ge @!p0 [sflag:s0], s1  }
0x352: {  	s1 =	ssub.s32 @!p0 $0x0, s1;
	[sflag:s0] =	ssyncset.done @!p0 $0x0  }
0x353: {  	[sflag:s0] =	ssyncadd.s32 @!p0 s1  }
0x354: {  	[bflag:$0x3] =	sbarrier.arrive $0xFFFF  }
0x355: {  	_ =	shalt  }

</sc_bundles>
